<compile_context>
chip_gen: v7x
topology: tpu7x:2x2x1
jax: 0.10.2.dev20260603
libtpu: 0.0.44.dev20260713+nightly
codegen_flags: <defaults>
</compile_context>

<pallas_src>
import functools

import jax
import jax.numpy as jnp
from jax import lax
from jax.experimental import pallas as pl
from jax.experimental.pallas import tpu as pltpu
from jax.experimental.pallas import tpu_sc as plsc

NU = 5000
NI = 5000
E = 320000
D = 128
B = 4096

L = 16
NC = 2
NS = 16
DE = 128
NP = 5120
ROWS_PER_TILE = NP // NS
CHUNK = 128
NCHUNK = 160
EPT_PAD = NCHUNK * CHUNK
E_PAD = EPT_PAD * NS


def _edge_kernel(tabs, gidx, sidx, nrm, zeros, acc_out,
                 acc_sh, gi_v, si_v, nm_v, gbuf, sem):
    cid = lax.axis_index("c")
    sid = lax.axis_index("s")

    r0 = sid * ROWS_PER_TILE
    pltpu.sync_copy(zeros.at[pl.ds(r0, ROWS_PER_TILE)],
                    acc_sh.at[pl.ds(r0, ROWS_PER_TILE)])

    c0 = sid * NCHUNK
    pltpu.sync_copy(gidx.at[cid, pl.ds(c0, NCHUNK)], gi_v)
    pltpu.sync_copy(sidx.at[cid, pl.ds(c0, NCHUNK)], si_v)
    pltpu.sync_copy(nrm.at[cid, pl.ds(c0, NCHUNK)], nm_v)

    plsc.subcore_barrier()

    def chunk_body(t, _):
        pltpu.async_copy(tabs.at[gi_v.at[t]], gbuf, sem).wait()

        def scale_body(j, _):
            nu = plsc.load_gather(
                nm_v, [jnp.full((L,), t, jnp.int32), jnp.full((L,), j, jnp.int32)])
            for q in range(DE // L):
                gbuf[j, pl.ds(q * L, L)] = gbuf[j, pl.ds(q * L, L)] * nu
            return 0

        lax.fori_loop(0, CHUNK, scale_body, 0)

        pltpu.sync_copy(gbuf, acc_sh.at[si_v.at[t]], add=True)
        return 0

    lax.fori_loop(0, NCHUNK, chunk_body, 0)

    plsc.subcore_barrier()

    pltpu.sync_copy(acc_sh.at[pl.ds(r0, ROWS_PER_TILE)],
                    acc_out.at[cid, pl.ds(r0, ROWS_PER_TILE)])


def _edge_pass(tabs, gidx, sidx, nrm, zeros):
    mesh = plsc.VectorSubcoreMesh(core_axis_name="c", subcore_axis_name="s")
    return pl.kernel(
        _edge_kernel,
        out_type=jax.ShapeDtypeStruct((NC, NP, DE), jnp.float32),
        mesh=mesh,
        scratch_types=[
            pltpu.VMEM_SHARED((NP, DE), jnp.float32),
            pltpu.VMEM((NCHUNK, CHUNK), jnp.int32),
            pltpu.VMEM((NCHUNK, CHUNK), jnp.int32),
            pltpu.VMEM((NCHUNK, CHUNK), jnp.float32),
            pltpu.VMEM((CHUNK, DE), jnp.float32),
            pltpu.SemaphoreType.DMA,
        ],
        compiler_params=pltpu.CompilerParams(needs_layout_passes=False),
    )(tabs, gidx, sidx, nrm, zeros)


def _dense_kernel(acc_ref, x_ref, w1t_ref, w2t_ref, h_ref):
    a = acc_ref[0]
    x = x_ref[0]
    h = (jnp.dot(a, w1t_ref[...], preferred_element_type=jnp.float32)
         + jnp.dot(x * a, w2t_ref[...], preferred_element_type=jnp.float32))
    h = jnp.where(h >= 0, h, 0.2 * h)
    n = jnp.sqrt(jnp.sum(h * h, axis=1, keepdims=True))
    h_ref[0] = h / jnp.maximum(n, 1e-12)


def _dense_pass(acc, xpad, w1t, w2t):
    RB = 1280
    return pl.pallas_call(
        _dense_kernel,
        grid=(NC, NP // RB),
        in_specs=[
            pl.BlockSpec((1, RB, DE), lambda s, r: (s, r, 0)),
            pl.BlockSpec((1, RB, D), lambda s, r: (s, r, 0)),
            pl.BlockSpec((D, D), lambda s, r: (0, 0)),
            pl.BlockSpec((D, D), lambda s, r: (0, 0)),
        ],
        out_specs=pl.BlockSpec((1, RB, D), lambda s, r: (s, r, 0)),
        out_shape=jax.ShapeDtypeStruct((NC, NP, D), jnp.float32),
    )(acc, xpad, w1t, w2t)


PB = B // (NC * NS)


def _dot_kernel(xu, xi, hu, hi, users, items, preds,
                u_v, i_v, xu_b, xi_b, hu_b, hi_b, out_v, sem):
    cid = lax.axis_index("c")
    sid = lax.axis_index("s")
    wid = sid * NC + cid
    q0 = wid * PB

    pltpu.sync_copy(users.at[pl.ds(q0, PB)], u_v)
    pltpu.sync_copy(items.at[pl.ds(q0, PB)], i_v)
    pltpu.async_copy(xu.at[u_v], xu_b, sem).wait()
    pltpu.async_copy(xi.at[i_v], xi_b, sem).wait()
    pltpu.async_copy(hu.at[u_v], hu_b, sem).wait()
    pltpu.async_copy(hi.at[i_v], hi_b, sem).wait()

    iota = lax.iota(jnp.int32, L)
    for g in range(PB // L):
        rows = iota + g * L

        def dot_body(dd, acc):
            col = jnp.full((L,), dd, jnp.int32)
            xv = plsc.load_gather(xu_b, [rows, col]) * \
                plsc.load_gather(xi_b, [rows, col])
            hv = plsc.load_gather(hu_b, [rows, col]) * \
                plsc.load_gather(hi_b, [rows, col])
            return acc + xv + hv

        acc = lax.fori_loop(0, D, dot_body, jnp.zeros((L,), jnp.float32))
        out_v[pl.ds(g * L, L)] = acc

    pltpu.sync_copy(out_v, preds.at[pl.ds(q0, PB)])


def _dot_pass(xu, xi, hu, hi, users, items):
    mesh = plsc.VectorSubcoreMesh(core_axis_name="c", subcore_axis_name="s")
    return pl.kernel(
        _dot_kernel,
        out_type=jax.ShapeDtypeStruct((B,), jnp.float32),
        mesh=mesh,
        scratch_types=[
            pltpu.VMEM((PB,), jnp.int32),
            pltpu.VMEM((PB,), jnp.int32),
            pltpu.VMEM((PB, D), jnp.float32),
            pltpu.VMEM((PB, D), jnp.float32),
            pltpu.VMEM((PB, D), jnp.float32),
            pltpu.VMEM((PB, D), jnp.float32),
            pltpu.VMEM((PB,), jnp.float32),
            pltpu.SemaphoreType.DMA,
        ],
        compiler_params=pltpu.CompilerParams(needs_layout_passes=False),
    )(xu, xi, hu, hi, users, items)


def kernel(x_user, x_item, norm_ui, norm_iu, W1_w, W1_b, W2_w, W2_b,
           src, dst, users, items):
    f32 = jnp.float32

    def pad_table(x):
        return jnp.pad(x, ((0, NP - x.shape[0]), (0, 0)))

    tabs = jnp.concatenate([pad_table(x_user), pad_table(x_item)], axis=0)

    pad_e = E_PAD - E
    pad_idx = jnp.full((pad_e,), NP - 1, jnp.int32)
    src_p = jnp.concatenate([src, pad_idx])
    dst_p = jnp.concatenate([dst, pad_idx])
    zero_n = jnp.zeros((pad_e,), f32)
    nui_p = jnp.concatenate([norm_ui.reshape(-1), zero_n])
    niu_p = jnp.concatenate([norm_iu.reshape(-1), zero_n])

    nrow = E_PAD // CHUNK
    gidx = jnp.stack([src_p, dst_p + NP]).reshape(2, nrow, CHUNK)
    sidx = jnp.stack([dst_p, src_p]).reshape(2, nrow, CHUNK)
    nrm = jnp.stack([nui_p, niu_p]).reshape(2, nrow, CHUNK)
    zeros = jnp.zeros((NP, DE), f32)

    acc = _edge_pass(tabs, gidx, sidx, nrm, zeros)

    xpad = jnp.stack([pad_table(x_item), pad_table(x_user)])
    h = _dense_pass(acc, xpad, W1_w.T, W2_w.T)
    h_item = h[0]
    h_user = h[1]

    return _dot_pass(x_user, x_item, h_user, h_item, users, items)

# --- scband reference (transcript-rebuilt; emitter-appended) ---
"""Pipeline reference for scband-ngcf-32341103739242 (READ-ONLY COPY).

The authoritative reference and input builder live on the scoring server;
editing this copy changes nothing except your own understanding.
"""

import jax, jax.numpy as jnp
import numpy as np

N_USERS = 5000
N_ITEMS = 5000
E = 320000
D = 128
B = 4096


def setup_inputs(seed: int = 0) -> dict:
    key = jax.random.key(seed)
    ks = jax.random.split(key, 12)
    xavier = float(np.sqrt(6.0 / (D + D)))
    return {
        "x_user": jax.random.normal(ks[0], (N_USERS, D), jnp.float32) * 0.1,
        "x_item": jax.random.normal(ks[1], (N_ITEMS, D), jnp.float32) * 0.1,
        "norm_ui": jax.random.uniform(ks[2], (E, 1), jnp.float32),
        "norm_iu": jax.random.uniform(ks[3], (E, 1), jnp.float32),
        "W1_w": jax.random.uniform(ks[4], (D, D), jnp.float32, -xavier, xavier),
        "W1_b": jnp.zeros((D,), jnp.float32),
        "W2_w": jax.random.uniform(ks[5], (D, D), jnp.float32, -xavier, xavier),
        "W2_b": jnp.zeros((D,), jnp.float32),
        "src": jax.random.randint(ks[6], (E,), 0, N_USERS, jnp.int32),
        "dst": jax.random.randint(ks[7], (E,), 0, N_ITEMS, jnp.int32),
        "users": jax.random.randint(ks[8], (B,), 0, N_USERS, jnp.int32),
        "items": jax.random.randint(ks[9], (B,), 0, N_ITEMS, jnp.int32),
    }


def reference(x_user, x_item, norm_ui, norm_iu, W1_w, W1_b, W2_w, W2_b, src, dst, users, items):
    # NGCFLayer on a bipartite user-item heterograph with edge types
    # ('user','ui','item') and ('item','iu','user').
    def lin1(x):
        return x @ W1_w.T + W1_b

    def lin2(x):
        return x @ W2_w.T + W2_b

    xu_src = x_user[src]            # gather source user features per edge
    xi_dst = x_item[dst]            # gather dest item features per edge

    # messages = norm * (W1(h_src) + W2(h_src * h_dst)) per NGCF
    m_ui = norm_ui * (lin1(xu_src) + lin2(xu_src * xi_dst))
    h_item = jax.ops.segment_sum(m_ui, dst, num_segments=N_ITEMS)

    m_iu = norm_iu * (lin1(xi_dst) + lin2(xi_dst * xu_src))
    h_user = jax.ops.segment_sum(m_iu, src, num_segments=N_USERS)

    def post(h):
        h = jax.nn.leaky_relu(h, negative_slope=0.2)
        # dropout p=0.0 -> identity (eval mode)
        n = jnp.linalg.norm(h, axis=1, keepdims=True)
        return h / jnp.maximum(n, 1e-12)   # F.normalize(h, dim=1, p=2)

    h_user = post(h_user)
    h_item = post(h_item)

    # block_embedder: concat layer-0 embedding with layer output
    emb_user = jnp.concatenate([x_user, h_user], axis=1)
    emb_item = jnp.concatenate([x_item, h_item], axis=1)

    # NGCF.forward(users, items, rank_all=False)
    u = emb_user[users]
    i = emb_item[items]
    preds = jnp.sum(u * i, axis=1)
    return preds

if __name__ == "__main__":
    import jax
    _d = setup_inputs()
    print(jax.jit(kernel)(*tuple(_d.values())))

</pallas_src>

<mosaic_0001>
#map = affine_map<(d0, d1) -> (0, 0)>
#map1 = affine_map<(d0, d1) -> (0, 0, 0)>
module attributes {stable_mosaic.version = 14 : i64} {
  func.func @_edge_kernel(%arg0: i32, %arg1: i32, %arg2: memref<10240x128xf32, #tpu.memory_space<hbm>>, %arg3: memref<2x2560x128xi32, #tpu.memory_space<hbm>>, %arg4: memref<2x2560x128xi32, #tpu.memory_space<hbm>>, %arg5: memref<2x2560x128xf32, #tpu.memory_space<hbm>>, %arg6: memref<5120x128xf32, #tpu.memory_space<hbm>>, %arg7: memref<2x5120x128xf32, #tpu.memory_space<hbm>>, %arg8: memref<5120x128xf32, #tpu.memory_space<vmem_shared>>, %arg9: memref<160x128xi32, #tpu.memory_space<vmem>>, %arg10: memref<160x128xi32, #tpu.memory_space<vmem>>, %arg11: memref<160x128xf32, #tpu.memory_space<vmem>>, %arg12: memref<128x128xf32, #tpu.memory_space<vmem>>, %arg13: memref<!tpu.dma_semaphore, #tpu.memory_space<semaphore_mem>>) attributes {dimension_semantics = [#tpu.dimension_semantics<core_parallel>, #tpu.dimension_semantics<subcore_parallel>], iteration_bounds = array<i64: 2, 16>, scalar_prefetch = 0 : i64, scratch_operands = 6 : i64, tpu.core_type = #tpu.core_type<sc_vector_subcore>, window_params = [{transform_indices = #map}, {transform_indices = #map1}, {transform_indices = #map1}, {transform_indices = #map1}, {transform_indices = #map}, {transform_indices = #map1}]} {
    %mul3A = arith.constant 320 : i32
    %mul3A_0 = arith.muli %arg1, %mul3A : i32
    "tpu.region"() ({
      %run_scoped3A = tpu.sem_alloc : memref<!tpu.dma_semaphore, #tpu.memory_space<semaphore_mem>>
      %dma_start3A = arith.constant 0 : i32
      %dma_start3A_10 = tpu.memref_slice %arg8[%mul3A_0, %dma_start3A] : memref<5120x128xf32, #tpu.memory_space<vmem_shared>> -> memref<320x128xf32, #tpu.memory_space<vmem_shared>>
      %dma_start3A_11 = arith.constant 0 : i32
      %dma_start3A_12 = tpu.memref_slice %arg6[%mul3A_0, %dma_start3A_11] : memref<5120x128xf32, #tpu.memory_space<hbm>> -> memref<320x128xf32, #tpu.memory_space<hbm>>
      tpu.enqueue_dma source(%dma_start3A_12 : memref<320x128xf32, #tpu.memory_space<hbm>>) target(%dma_start3A_10 : memref<320x128xf32, #tpu.memory_space<vmem_shared>>) target_semaphore(%run_scoped3A : memref<!tpu.dma_semaphore, #tpu.memory_space<semaphore_mem>>)
      %dma_wait3A = arith.constant 0 : i32
      %dma_wait3A_13 = tpu.memref_slice %arg8[%mul3A_0, %dma_wait3A] : memref<5120x128xf32, #tpu.memory_space<vmem_shared>> -> memref<320x128xf32, #tpu.memory_space<vmem_shared>>
      %dma_wait3A_14 = arith.constant 0 : i32
      %dma_wait3A_15 = tpu.memref_slice %arg6[%mul3A_0, %dma_wait3A_14] : memref<5120x128xf32, #tpu.memory_space<hbm>> -> memref<320x128xf32, #tpu.memory_space<hbm>>
      tpu.wait_dma2 semaphore(%run_scoped3A : memref<!tpu.dma_semaphore, #tpu.memory_space<semaphore_mem>>) src(%dma_wait3A_15 : memref<320x128xf32, #tpu.memory_space<hbm>>) dst(%dma_wait3A_13 : memref<320x128xf32, #tpu.memory_space<vmem_shared>>)
      tpu.yield
    }) : () -> ()
    %mul3A_1 = arith.constant 160 : i32
    %mul3A_2 = arith.muli %arg1, %mul3A_1 : i32
    "tpu.region"() ({
      %run_scoped3A = tpu.sem_alloc : memref<!tpu.dma_semaphore, #tpu.memory_space<semaphore_mem>>
      %dma_start3A = arith.constant 0 : i32
      %dma_start3A_10 = tpu.memref_slice %arg3[%arg0, %mul3A_2, %dma_start3A] : memref<2x2560x128xi32, #tpu.memory_space<hbm>> -> memref<1x160x128xi32, #tpu.memory_space<hbm>>
      %dma_start3A_11 = tpu.memref_squeeze %dma_start3A_10 : memref<1x160x128xi32, #tpu.memory_space<hbm>> -> memref<160x128xi32, #tpu.memory_space<hbm>>
      %dma_start3A_12 = arith.constant 0 : i32
      %dma_start3A_13 = tpu.memref_slice %arg3[%arg0, %mul3A_2, %dma_start3A_12] : memref<2x2560x128xi32, #tpu.memory_space<hbm>> -> memref<1x160x128xi32, #tpu.memory_space<hbm>>
      %dma_start3A_14 = tpu.memref_squeeze %dma_start3A_13 : memref<1x160x128xi32, #tpu.memory_space<hbm>> -> memref<160x128xi32, #tpu.memory_space<hbm>>
      tpu.enqueue_dma source(%dma_start3A_14 : memref<160x128xi32, #tpu.memory_space<hbm>>) target(%arg9 : memref<160x128xi32, #tpu.memory_space<vmem>>) target_semaphore(%run_scoped3A : memref<!tpu.dma_semaphore, #tpu.memory_space<semaphore_mem>>)
      %dma_wait3A = arith.constant 0 : i32
      %dma_wait3A_15 = tpu.memref_slice %arg3[%arg0, %mul3A_2, %dma_wait3A] : memref<2x2560x128xi32, #tpu.memory_space<hbm>> -> memref<1x160x128xi32, #tpu.memory_space<hbm>>
      %dma_wait3A_16 = tpu.memref_squeeze %dma_wait3A_15 : memref<1x160x128xi32, #tpu.memory_space<hbm>> -> memref<160x128xi32, #tpu.memory_space<hbm>>
      %dma_wait3A_17 = arith.constant 0 : i32
      %dma_wait3A_18 = tpu.memref_slice %arg3[%arg0, %mul3A_2, %dma_wait3A_17] : memref<2x2560x128xi32, #tpu.memory_space<hbm>> -> memref<1x160x128xi32, #tpu.memory_space<hbm>>
      %dma_wait3A_19 = tpu.memref_squeeze %dma_wait3A_18 : memref<1x160x128xi32, #tpu.memory_space<hbm>> -> memref<160x128xi32, #tpu.memory_space<hbm>>
      tpu.wait_dma2 semaphore(%run_scoped3A : memref<!tpu.dma_semaphore, #tpu.memory_space<semaphore_mem>>) src(%dma_wait3A_19 : memref<160x128xi32, #tpu.memory_space<hbm>>) dst(%arg9 : memref<160x128xi32, #tpu.memory_space<vmem>>)
      tpu.yield
    }) : () -> ()
    "tpu.region"() ({
      %run_scoped3A = tpu.sem_alloc : memref<!tpu.dma_semaphore, #tpu.memory_space<semaphore_mem>>
      %dma_start3A = arith.constant 0 : i32
      %dma_start3A_10 = tpu.memref_slice %arg4[%arg0, %mul3A_2, %dma_start3A] : memref<2x2560x128xi32, #tpu.memory_space<hbm>> -> memref<1x160x128xi32, #tpu.memory_space<hbm>>
      %dma_start3A_11 = tpu.memref_squeeze %dma_start3A_10 : memref<1x160x128xi32, #tpu.memory_space<hbm>> -> memref<160x128xi32, #tpu.memory_space<hbm>>
      %dma_start3A_12 = arith.constant 0 : i32
      %dma_start3A_13 = tpu.memref_slice %arg4[%arg0, %mul3A_2, %dma_start3A_12] : memref<2x2560x128xi32, #tpu.memory_space<hbm>> -> memref<1x160x128xi32, #tpu.memory_space<hbm>>
      %dma_start3A_14 = tpu.memref_squeeze %dma_start3A_13 : memref<1x160x128xi32, #tpu.memory_space<hbm>> -> memref<160x128xi32, #tpu.memory_space<hbm>>
      tpu.enqueue_dma source(%dma_start3A_14 : memref<160x128xi32, #tpu.memory_space<hbm>>) target(%arg10 : memref<160x128xi32, #tpu.memory_space<vmem>>) target_semaphore(%run_scoped3A : memref<!tpu.dma_semaphore, #tpu.memory_space<semaphore_mem>>)
      %dma_wait3A = arith.constant 0 : i32
      %dma_wait3A_15 = tpu.memref_slice %arg4[%arg0, %mul3A_2, %dma_wait3A] : memref<2x2560x128xi32, #tpu.memory_space<hbm>> -> memref<1x160x128xi32, #tpu.memory_space<hbm>>
      %dma_wait3A_16 = tpu.memref_squeeze %dma_wait3A_15 : memref<1x160x128xi32, #tpu.memory_space<hbm>> -> memref<160x128xi32, #tpu.memory_space<hbm>>
      %dma_wait3A_17 = arith.constant 0 : i32
      %dma_wait3A_18 = tpu.memref_slice %arg4[%arg0, %mul3A_2, %dma_wait3A_17] : memref<2x2560x128xi32, #tpu.memory_space<hbm>> -> memref<1x160x128xi32, #tpu.memory_space<hbm>>
      %dma_wait3A_19 = tpu.memref_squeeze %dma_wait3A_18 : memref<1x160x128xi32, #tpu.memory_space<hbm>> -> memref<160x128xi32, #tpu.memory_space<hbm>>
      tpu.wait_dma2 semaphore(%run_scoped3A : memref<!tpu.dma_semaphore, #tpu.memory_space<semaphore_mem>>) src(%dma_wait3A_19 : memref<160x128xi32, #tpu.memory_space<hbm>>) dst(%arg10 : memref<160x128xi32, #tpu.memory_space<vmem>>)
      tpu.yield
    }) : () -> ()
    "tpu.region"() ({
      %run_scoped3A = tpu.sem_alloc : memref<!tpu.dma_semaphore, #tpu.memory_space<semaphore_mem>>
      %dma_start3A = arith.constant 0 : i32
      %dma_start3A_10 = tpu.memref_slice %arg5[%arg0, %mul3A_2, %dma_start3A] : memref<2x2560x128xf32, #tpu.memory_space<hbm>> -> memref<1x160x128xf32, #tpu.memory_space<hbm>>
      %dma_start3A_11 = tpu.memref_squeeze %dma_start3A_10 : memref<1x160x128xf32, #tpu.memory_space<hbm>> -> memref<160x128xf32, #tpu.memory_space<hbm>>
      %dma_start3A_12 = arith.constant 0 : i32
      %dma_start3A_13 = tpu.memref_slice %arg5[%arg0, %mul3A_2, %dma_start3A_12] : memref<2x2560x128xf32, #tpu.memory_space<hbm>> -> memref<1x160x128xf32, #tpu.memory_space<hbm>>
      %dma_start3A_14 = tpu.memref_squeeze %dma_start3A_13 : memref<1x160x128xf32, #tpu.memory_space<hbm>> -> memref<160x128xf32, #tpu.memory_space<hbm>>
      tpu.enqueue_dma source(%dma_start3A_14 : memref<160x128xf32, #tpu.memory_space<hbm>>) target(%arg11 : memref<160x128xf32, #tpu.memory_space<vmem>>) target_semaphore(%run_scoped3A : memref<!tpu.dma_semaphore, #tpu.memory_space<semaphore_mem>>)
      %dma_wait3A = arith.constant 0 : i32
      %dma_wait3A_15 = tpu.memref_slice %arg5[%arg0, %mul3A_2, %dma_wait3A] : memref<2x2560x128xf32, #tpu.memory_space<hbm>> -> memref<1x160x128xf32, #tpu.memory_space<hbm>>
      %dma_wait3A_16 = tpu.memref_squeeze %dma_wait3A_15 : memref<1x160x128xf32, #tpu.memory_space<hbm>> -> memref<160x128xf32, #tpu.memory_space<hbm>>
      %dma_wait3A_17 = arith.constant 0 : i32
      %dma_wait3A_18 = tpu.memref_slice %arg5[%arg0, %mul3A_2, %dma_wait3A_17] : memref<2x2560x128xf32, #tpu.memory_space<hbm>> -> memref<1x160x128xf32, #tpu.memory_space<hbm>>
      %dma_wait3A_19 = tpu.memref_squeeze %dma_wait3A_18 : memref<1x160x128xf32, #tpu.memory_space<hbm>> -> memref<160x128xf32, #tpu.memory_space<hbm>>
      tpu.wait_dma2 semaphore(%run_scoped3A : memref<!tpu.dma_semaphore, #tpu.memory_space<semaphore_mem>>) src(%dma_wait3A_19 : memref<160x128xf32, #tpu.memory_space<hbm>>) dst(%arg11 : memref<160x128xf32, #tpu.memory_space<vmem>>)
      tpu.yield
    }) : () -> ()
    %barrier3A = arith.constant 0 : index
    tpu.barrier barrier_id(%barrier3A)
    %scan3A = arith.constant 0 : i32
    %scan3A_3 = arith.constant 0 : i32
    %scan3A_4 = arith.constant 160 : i32
    %scan3A_5 = arith.addi %scan3A_3, %scan3A_4 : i32
    %scan3A_6 = arith.constant 1 : i32
    %scan3A_7 = scf.for %scan3A_10 = %scan3A_3 to %scan3A_5 step %scan3A_6 iter_args(%scan3A_11 = %scan3A) -> (i32)  : i32 {
      %dma_start3A = arith.constant 0 : i32
      %dma_start3A_12 = tpu.memref_slice %arg9[%scan3A_10, %dma_start3A] : memref<160x128xi32, #tpu.memory_space<vmem>> -> memref<1x128xi32, #tpu.memory_space<vmem>>
      %dma_start3A_13 = tpu.memref_squeeze %dma_start3A_12 : memref<1x128xi32, #tpu.memory_space<vmem>> -> memref<128xi32, #tpu.memory_space<vmem>>
      %dma_start3A_14 = arith.constant 0 : i32
      %dma_start3A_15 = arith.constant 0 : i32
      %dma_start3A_16 = tpu.memref_slice %arg2[%dma_start3A_14, %dma_start3A_15] : memref<10240x128xf32, #tpu.memory_space<hbm>> -> memref<10240x128xf32, #tpu.memory_space<hbm>>
      tpu.enqueue_indirect_dma source(%dma_start3A_16 : memref<10240x128xf32, #tpu.memory_space<hbm>>) target(%arg12 : memref<128x128xf32, #tpu.memory_space<vmem>>) offsets(%dma_start3A_13 : memref<128xi32, #tpu.memory_space<vmem>>) semaphore(%arg13 : memref<!tpu.dma_semaphore, #tpu.memory_space<semaphore_mem>>)
      %dma_wait3A = arith.constant 0 : i32
      %dma_wait3A_17 = tpu.memref_slice %arg9[%scan3A_10, %dma_wait3A] : memref<160x128xi32, #tpu.memory_space<vmem>> -> memref<1x128xi32, #tpu.memory_space<vmem>>
      %dma_wait3A_18 = tpu.memref_squeeze %dma_wait3A_17 : memref<1x128xi32, #tpu.memory_space<vmem>> -> memref<128xi32, #tpu.memory_space<vmem>>
      %dma_wait3A_19 = arith.constant 0 : i32
      %dma_wait3A_20 = arith.constant 0 : i32
      %dma_wait3A_21 = tpu.memref_slice %arg2[%dma_wait3A_19, %dma_wait3A_20] : memref<10240x128xf32, #tpu.memory_space<hbm>> -> memref<10240x128xf32, #tpu.memory_space<hbm>>
      tpu.wait_indirect_dma semaphore(%arg13 : memref<!tpu.dma_semaphore, #tpu.memory_space<semaphore_mem>>) src(%dma_wait3A_21 : memref<10240x128xf32, #tpu.memory_space<hbm>>) dst(%arg12 : memref<128x128xf32, #tpu.memory_space<vmem>>)
      %scan3A_22 = arith.constant 0 : i32
      %scan3A_23 = arith.constant 0 : i32
      %scan3A_24 = arith.constant 128 : i32
      %scan3A_25 = arith.addi %scan3A_23, %scan3A_24 : i32
      %scan3A_26 = arith.constant 1 : i32
      %scan3A_27 = scf.for %scan3A_30 = %scan3A_23 to %scan3A_25 step %scan3A_26 iter_args(%scan3A_31 = %scan3A_22) -> (i32)  : i32 {
        %broadcast_in_dim3A = vector.broadcast %scan3A_10 : i32 to vector<16xi32>
        %broadcast_in_dim3A_32 = vector.broadcast %scan3A_30 : i32 to vector<16xi32>
        %gather3A = tpu.vector_load_idx %arg11[%broadcast_in_dim3A, %broadcast_in_dim3A_32] : memref<160x128xf32, #tpu.memory_space<vmem>>[vector<16xi32>, vector<16xi32>], vector<16xf32>,
        %get3A = arith.index_cast %scan3A_30 : i32 to index
        %get3A_33 = arith.constant 0 : index
        %get3A_34 = tpu.vector_load %arg12[%get3A, %get3A_33] {strides = array<i32>} : memref<128x128xf32, #tpu.memory_space<vmem>>, vector<16xf32>,
        %mul3A_35 = arith.mulf %get3A_34, %gather3A : vector<16xf32>
        %swap3A = arith.index_cast %scan3A_30 : i32 to index
        %swap3A_36 = arith.constant 0 : index
        %swap3A_37 = tpu.vector_load %arg12[%swap3A, %swap3A_36] {strides = array<i32>} : memref<128x128xf32, #tpu.memory_space<vmem>>, vector<16xf32>,
        tpu.vector_store %arg12[%swap3A, %swap3A_36], %mul3A_35 {strides = array<i32>} : memref<128x128xf32, #tpu.memory_space<vmem>>, vector<16xf32>,
        %get3A_38 = arith.index_cast %scan3A_30 : i32 to index
        %get3A_39 = arith.constant 16 : index
        %get3A_40 = tpu.vector_load %arg12[%get3A_38, %get3A_39] {strides = array<i32>} : memref<128x128xf32, #tpu.memory_space<vmem>>, vector<16xf32>,
        %mul3A_41 = arith.mulf %get3A_40, %gather3A : vector<16xf32>
        %swap3A_42 = arith.index_cast %scan3A_30 : i32 to index
        %swap3A_43 = arith.constant 16 : index
        %swap3A_44 = tpu.vector_load %arg12[%swap3A_42, %swap3A_43] {strides = array<i32>} : memref<128x128xf32, #tpu.memory_space<vmem>>, vector<16xf32>,
        tpu.vector_store %arg12[%swap3A_42, %swap3A_43], %mul3A_41 {strides = array<i32>} : memref<128x128xf32, #tpu.memory_space<vmem>>, vector<16xf32>,
        %get3A_45 = arith.index_cast %scan3A_30 : i32 to index
        %get3A_46 = arith.constant 32 : index
        %get3A_47 = tpu.vector_load %arg12[%get3A_45, %get3A_46] {strides = array<i32>} : memref<128x128xf32, #tpu.memory_space<vmem>>, vector<16xf32>,
        %mul3A_48 = arith.mulf %get3A_47, %gather3A : vector<16xf32>
        %swap3A_49 = arith.index_cast %scan3A_30 : i32 to index
        %swap3A_50 = arith.constant 32 : index
        %swap3A_51 = tpu.vector_load %arg12[%swap3A_49, %swap3A_50] {strides = array<i32>} : memref<128x128xf32, #tpu.memory_space<vmem>>, vector<16xf32>,
        tpu.vector_store %arg12[%swap3A_49, %swap3A_50], %mul3A_48 {strides = array<i32>} : memref<128x128xf32, #tpu.memory_space<vmem>>, vector<16xf32>,
        %get3A_52 = arith.index_cast %scan3A_30 : i32 to index
        %get3A_53 = arith.constant 48 : index
        %get3A_54 = tpu.vector_load %arg12[%get3A_52, %get3A_53] {strides = array<i32>} : memref<128x128xf32, #tpu.memory_space<vmem>>, vector<16xf32>,
        %mul3A_55 = arith.mulf %get3A_54, %gather3A : vector<16xf32>
        %swap3A_56 = arith.index_cast %scan3A_30 : i32 to index
        %swap3A_57 = arith.constant 48 : index
        %swap3A_58 = tpu.vector_load %arg12[%swap3A_56, %swap3A_57] {strides = array<i32>} : memref<128x128xf32, #tpu.memory_space<vmem>>, vector<16xf32>,
        tpu.vector_store %arg12[%swap3A_56, %swap3A_57], %mul3A_55 {strides = array<i32>} : memref<128x128xf32, #tpu.memory_space<vmem>>, vector<16xf32>,
        %get3A_59 = arith.index_cast %scan3A_30 : i32 to index
        %get3A_60 = arith.constant 64 : index
        %get3A_61 = tpu.vector_load %arg12[%get3A_59, %get3A_60] {strides = array<i32>} : memref<128x128xf32, #tpu.memory_space<vmem>>, vector<16xf32>,
        %mul3A_62 = arith.mulf %get3A_61, %gather3A : vector<16xf32>
        %swap3A_63 = arith.index_cast %scan3A_30 : i32 to index
        %swap3A_64 = arith.constant 64 : index
        %swap3A_65 = tpu.vector_load %arg12[%swap3A_63, %swap3A_64] {strides = array<i32>} : memref<128x128xf32, #tpu.memory_space<vmem>>, vector<16xf32>,
        tpu.vector_store %arg12[%swap3A_63, %swap3A_64], %mul3A_62 {strides = array<i32>} : memref<128x128xf32, #tpu.memory_space<vmem>>, vector<16xf32>,
        %get3A_66 = arith.index_cast %scan3A_30 : i32 to index
        %get3A_67 = arith.constant 80 : index
        %get3A_68 = tpu.vector_load %arg12[%get3A_66, %get3A_67] {strides = array<i32>} : memref<128x128xf32, #tpu.memory_space<vmem>>, vector<16xf32>,
        %mul3A_69 = arith.mulf %get3A_68, %gather3A : vector<16xf32>
        %swap3A_70 = arith.index_cast %scan3A_30 : i32 to index
        %swap3A_71 = arith.constant 80 : index
        %swap3A_72 = tpu.vector_load %arg12[%swap3A_70, %swap3A_71] {strides = array<i32>} : memref<128x128xf32, #tpu.memory_space<vmem>>, vector<16xf32>,
        tpu.vector_store %arg12[%swap3A_70, %swap3A_71], %mul3A_69 {strides = array<i32>} : memref<128x128xf32, #tpu.memory_space<vmem>>, vector<16xf32>,
        %get3A_73 = arith.index_cast %scan3A_30 : i32 to index
        %get3A_74 = arith.constant 96 : index
        %get3A_75 = tpu.vector_load %arg12[%get3A_73, %get3A_74] {strides = array<i32>} : memref<128x128xf32, #tpu.memory_space<vmem>>, vector<16xf32>,
        %mul3A_76 = arith.mulf %get3A_75, %gather3A : vector<16xf32>
        %swap3A_77 = arith.index_cast %scan3A_30 : i32 to index
        %swap3A_78 = arith.constant 96 : index
        %swap3A_79 = tpu.vector_load %arg12[%swap3A_77, %swap3A_78] {strides = array<i32>} : memref<128x128xf32, #tpu.memory_space<vmem>>, vector<16xf32>,
        tpu.vector_store %arg12[%swap3A_77, %swap3A_78], %mul3A_76 {strides = array<i32>} : memref<128x128xf32, #tpu.memory_space<vmem>>, vector<16xf32>,
        %get3A_80 = arith.index_cast %scan3A_30 : i32 to index
        %get3A_81 = arith.constant 112 : index
        %get3A_82 = tpu.vector_load %arg12[%get3A_80, %get3A_81] {strides = array<i32>} : memref<128x128xf32, #tpu.memory_space<vmem>>, vector<16xf32>,
        %mul3A_83 = arith.mulf %get3A_82, %gather3A : vector<16xf32>
        %swap3A_84 = arith.index_cast %scan3A_30 : i32 to index
        %swap3A_85 = arith.constant 112 : index
        %swap3A_86 = tpu.vector_load %arg12[%swap3A_84, %swap3A_85] {strides = array<i32>} : memref<128x128xf32, #tpu.memory_space<vmem>>, vector<16xf32>,
        tpu.vector_store %arg12[%swap3A_84, %swap3A_85], %mul3A_83 {strides = array<i32>} : memref<128x128xf32, #tpu.memory_space<vmem>>, vector<16xf32>,
        %scan3A_87 = arith.constant 0 : i32
        scf.yield %scan3A_87 : i32
      }
      %scan3A_28 = arith.constant 128 : i32
      "tpu.region"() ({
        %run_scoped3A = tpu.sem_alloc : memref<!tpu.dma_semaphore, #tpu.memory_space<semaphore_mem>>
        %dma_start3A_30 = arith.constant 0 : i32
        %dma_start3A_31 = tpu.memref_slice %arg10[%scan3A_10, %dma_start3A_30] : memref<160x128xi32, #tpu.memory_space<vmem>> -> memref<1x128xi32, #tpu.memory_space<vmem>>
        %dma_start3A_32 = tpu.memref_squeeze %dma_start3A_31 : memref<1x128xi32, #tpu.memory_space<vmem>> -> memref<128xi32, #tpu.memory_space<vmem>>
        %dma_start3A_33 = arith.constant 0 : i32
        %dma_start3A_34 = arith.constant 0 : i32
        %dma_start3A_35 = tpu.memref_slice %arg8[%dma_start3A_33, %dma_start3A_34] : memref<5120x128xf32, #tpu.memory_space<vmem_shared>> -> memref<5120x128xf32, #tpu.memory_space<vmem_shared>>
        tpu.enqueue_indirect_dma source(%arg12 : memref<128x128xf32, #tpu.memory_space<vmem>>) target(%dma_start3A_35 : memref<5120x128xf32, #tpu.memory_space<vmem_shared>>) offsets(%dma_start3A_32 : memref<128xi32, #tpu.memory_space<vmem>>) semaphore(%run_scoped3A : memref<!tpu.dma_semaphore, #tpu.memory_space<semaphore_mem>>) {add = true}
        %dma_wait3A_36 = arith.constant 0 : i32
        %dma_wait3A_37 = tpu.memref_slice %arg10[%scan3A_10, %dma_wait3A_36] : memref<160x128xi32, #tpu.memory_space<vmem>> -> memref<1x128xi32, #tpu.memory_space<vmem>>
        %dma_wait3A_38 = tpu.memref_squeeze %dma_wait3A_37 : memref<1x128xi32, #tpu.memory_space<vmem>> -> memref<128xi32, #tpu.memory_space<vmem>>
        %dma_wait3A_39 = arith.constant 0 : i32
        %dma_wait3A_40 = arith.constant 0 : i32
        %dma_wait3A_41 = tpu.memref_slice %arg8[%dma_wait3A_39, %dma_wait3A_40] : memref<5120x128xf32, #tpu.memory_space<vmem_shared>> -> memref<5120x128xf32, #tpu.memory_space<vmem_shared>>
        tpu.wait_indirect_dma semaphore(%run_scoped3A : memref<!tpu.dma_semaphore, #tpu.memory_space<semaphore_mem>>) src(%arg12 : memref<128x128xf32, #tpu.memory_space<vmem>>) dst(%dma_wait3A_41 : memref<5120x128xf32, #tpu.memory_space<vmem_shared>>)
        tpu.yield
      }) : () -> ()
      %scan3A_29 = arith.constant 0 : i32
      scf.yield %scan3A_29 : i32
    }
    %scan3A_8 = arith.constant 160 : i32
    %barrier3A_9 = arith.constant 0 : index
    tpu.barrier barrier_id(%barrier3A_9)
    "tpu.region"() ({
      %run_scoped3A = tpu.sem_alloc : memref<!tpu.dma_semaphore, #tpu.memory_space<semaphore_mem>>
      %dma_start3A = arith.constant 0 : i32
      %dma_start3A_10 = tpu.memref_slice %arg7[%arg0, %mul3A_0, %dma_start3A] : memref<2x5120x128xf32, #tpu.memory_space<hbm>> -> memref<1x320x128xf32, #tpu.memory_space<hbm>>
      %dma_start3A_11 = tpu.memref_squeeze %dma_start3A_10 : memref<1x320x128xf32, #tpu.memory_space<hbm>> -> memref<320x128xf32, #tpu.memory_space<hbm>>
      %dma_start3A_12 = arith.constant 0 : i32
      %dma_start3A_13 = tpu.memref_slice %arg8[%mul3A_0, %dma_start3A_12] : memref<5120x128xf32, #tpu.memory_space<vmem_shared>> -> memref<320x128xf32, #tpu.memory_space<vmem_shared>>
      tpu.enqueue_dma source(%dma_start3A_13 : memref<320x128xf32, #tpu.memory_space<vmem_shared>>) target(%dma_start3A_11 : memref<320x128xf32, #tpu.memory_space<hbm>>) target_semaphore(%run_scoped3A : memref<!tpu.dma_semaphore, #tpu.memory_space<semaphore_mem>>)
      %dma_wait3A = arith.constant 0 : i32
      %dma_wait3A_14 = tpu.memref_slice %arg7[%arg0, %mul3A_0, %dma_wait3A] : memref<2x5120x128xf32, #tpu.memory_space<hbm>> -> memref<1x320x128xf32, #tpu.memory_space<hbm>>
      %dma_wait3A_15 = tpu.memref_squeeze %dma_wait3A_14 : memref<1x320x128xf32, #tpu.memory_space<hbm>> -> memref<320x128xf32, #tpu.memory_space<hbm>>
      %dma_wait3A_16 = arith.constant 0 : i32
      %dma_wait3A_17 = tpu.memref_slice %arg8[%mul3A_0, %dma_wait3A_16] : memref<5120x128xf32, #tpu.memory_space<vmem_shared>> -> memref<320x128xf32, #tpu.memory_space<vmem_shared>>
      tpu.wait_dma2 semaphore(%run_scoped3A : memref<!tpu.dma_semaphore, #tpu.memory_space<semaphore_mem>>) src(%dma_wait3A_17 : memref<320x128xf32, #tpu.memory_space<vmem_shared>>) dst(%dma_wait3A_15 : memref<320x128xf32, #tpu.memory_space<hbm>>)
      tpu.yield
    }) : () -> ()
    return
  }
}

#map = affine_map<(d0, d1) -> (0, 0)>
#map1 = affine_map<(d0, d1) -> (0)>
module attributes {stable_mosaic.version = 14 : i64} {
  func.func @_dot_kernel(%arg0: i32, %arg1: i32, %arg2: memref<5000x128xf32, #tpu.memory_space<hbm>>, %arg3: memref<5000x128xf32, #tpu.memory_space<hbm>>, %arg4: memref<5120x128xf32, #tpu.memory_space<hbm>>, %arg5: memref<5120x128xf32, #tpu.memory_space<hbm>>, %arg6: memref<4096xi32, #tpu.memory_space<hbm>>, %arg7: memref<4096xi32, #tpu.memory_space<hbm>>, %arg8: memref<4096xf32, #tpu.memory_space<hbm>>, %arg9: memref<128xi32, #tpu.memory_space<vmem>>, %arg10: memref<128xi32, #tpu.memory_space<vmem>>, %arg11: memref<128x128xf32, #tpu.memory_space<vmem>>, %arg12: memref<128x128xf32, #tpu.memory_space<vmem>>, %arg13: memref<128x128xf32, #tpu.memory_space<vmem>>, %arg14: memref<128x128xf32, #tpu.memory_space<vmem>>, %arg15: memref<128xf32, #tpu.memory_space<vmem>>, %arg16: memref<!tpu.dma_semaphore, #tpu.memory_space<semaphore_mem>>) attributes {dimension_semantics = [#tpu.dimension_semantics<core_parallel>, #tpu.dimension_semantics<subcore_parallel>], iteration_bounds = array<i64: 2, 16>, scalar_prefetch = 0 : i64, scratch_operands = 8 : i64, tpu.core_type = #tpu.core_type<sc_vector_subcore>, window_params = [{transform_indices = #map}, {transform_indices = #map}, {transform_indices = #map}, {transform_indices = #map}, {transform_indices = #map1}, {transform_indices = #map1}, {transform_indices = #map1}]} {
    %mul3A = arith.constant 2 : i32
    %mul3A_0 = arith.muli %arg1, %mul3A : i32
    %add3A = arith.addi %mul3A_0, %arg0 : i32
    %mul3A_1 = arith.constant 128 : i32
    %mul3A_2 = arith.muli %add3A, %mul3A_1 : i32
    "tpu.region"() ({
      %run_scoped3A = tpu.sem_alloc : memref<!tpu.dma_semaphore, #tpu.memory_space<semaphore_mem>>
      %dma_start3A_126 = tpu.memref_slice %arg6[%mul3A_2] : memref<4096xi32, #tpu.memory_space<hbm>> -> memref<128xi32, #tpu.memory_space<hbm>>
      %dma_start3A_127 = tpu.memref_slice %arg6[%mul3A_2] : memref<4096xi32, #tpu.memory_space<hbm>> -> memref<128xi32, #tpu.memory_space<hbm>>
      tpu.enqueue_dma source(%dma_start3A_127 : memref<128xi32, #tpu.memory_space<hbm>>) target(%arg9 : memref<128xi32, #tpu.memory_space<vmem>>) target_semaphore(%run_scoped3A : memref<!tpu.dma_semaphore, #tpu.memory_space<semaphore_mem>>)
      %dma_wait3A_128 = tpu.memref_slice %arg6[%mul3A_2] : memref<4096xi32, #tpu.memory_space<hbm>> -> memref<128xi32, #tpu.memory_space<hbm>>
      %dma_wait3A_129 = tpu.memref_slice %arg6[%mul3A_2] : memref<4096xi32, #tpu.memory_space<hbm>> -> memref<128xi32, #tpu.memory_space<hbm>>
      tpu.wait_dma2 semaphore(%run_scoped3A : memref<!tpu.dma_semaphore, #tpu.memory_space<semaphore_mem>>) src(%dma_wait3A_129 : memref<128xi32, #tpu.memory_space<hbm>>) dst(%arg9 : memref<128xi32, #tpu.memory_space<vmem>>)
      tpu.yield
    }) : () -> ()
    "tpu.region"() ({
      %run_scoped3A = tpu.sem_alloc : memref<!tpu.dma_semaphore, #tpu.memory_space<semaphore_mem>>
      %dma_start3A_126 = tpu.memref_slice %arg7[%mul3A_2] : memref<4096xi32, #tpu.memory_space<hbm>> -> memref<128xi32, #tpu.memory_space<hbm>>
      %dma_start3A_127 = tpu.memref_slice %arg7[%mul3A_2] : memref<4096xi32, #tpu.memory_space<hbm>> -> memref<128xi32, #tpu.memory_space<hbm>>
      tpu.enqueue_dma source(%dma_start3A_127 : memref<128xi32, #tpu.memory_space<hbm>>) target(%arg10 : memref<128xi32, #tpu.memory_space<vmem>>) target_semaphore(%run_scoped3A : memref<!tpu.dma_semaphore, #tpu.memory_space<semaphore_mem>>)
      %dma_wait3A_128 = tpu.memref_slice %arg7[%mul3A_2] : memref<4096xi32, #tpu.memory_space<hbm>> -> memref<128xi32, #tpu.memory_space<hbm>>
      %dma_wait3A_129 = tpu.memref_slice %arg7[%mul3A_2] : memref<4096xi32, #tpu.memory_space<hbm>> -> memref<128xi32, #tpu.memory_space<hbm>>
      tpu.wait_dma2 semaphore(%run_scoped3A : memref<!tpu.dma_semaphore, #tpu.memory_space<semaphore_mem>>) src(%dma_wait3A_129 : memref<128xi32, #tpu.memory_space<hbm>>) dst(%arg10 : memref<128xi32, #tpu.memory_space<vmem>>)
      tpu.yield
    }) : () -> ()
    %dma_start3A = arith.constant 0 : i32
    %dma_start3A_3 = arith.constant 0 : i32
    %dma_start3A_4 = tpu.memref_slice %arg2[%dma_start3A, %dma_start3A_3] : memref<5000x128xf32, #tpu.memory_space<hbm>> -> memref<5000x128xf32, #tpu.memory_space<hbm>>
    tpu.enqueue_indirect_dma source(%dma_start3A_4 : memref<5000x128xf32, #tpu.memory_space<hbm>>) target(%arg11 : memref<128x128xf32, #tpu.memory_space<vmem>>) offsets(%arg9 : memref<128xi32, #tpu.memory_space<vmem>>) semaphore(%arg16 : memref<!tpu.dma_semaphore, #tpu.memory_space<semaphore_mem>>)
    %dma_wait3A = arith.constant 0 : i32
    %dma_wait3A_5 = arith.constant 0 : i32
    %dma_wait3A_6 = tpu.memref_slice %arg2[%dma_wait3A, %dma_wait3A_5] : memref<5000x128xf32, #tpu.memory_space<hbm>> -> memref<5000x128xf32, #tpu.memory_space<hbm>>
    tpu.wait_indirect_dma semaphore(%arg16 : memref<!tpu.dma_semaphore, #tpu.memory_space<semaphore_mem>>) src(%dma_wait3A_6 : memref<5000x128xf32, #tpu.memory_space<hbm>>) dst(%arg11 : memref<128x128xf32, #tpu.memory_space<vmem>>)
    %dma_start3A_7 = arith.constant 0 : i32
    %dma_start3A_8 = arith.constant 0 : i32
    %dma_start3A_9 = tpu.memref_slice %arg3[%dma_start3A_7, %dma_start3A_8] : memref<5000x128xf32, #tpu.memory_space<hbm>> -> memref<5000x128xf32, #tpu.memory_space<hbm>>
    tpu.enqueue_indirect_dma source(%dma_start3A_9 : memref<5000x128xf32, #tpu.memory_space<hbm>>) target(%arg12 : memref<128x128xf32, #tpu.memory_space<vmem>>) offsets(%arg10 : memref<128xi32, #tpu.memory_space<vmem>>) semaphore(%arg16 : memref<!tpu.dma_semaphore, #tpu.memory_space<semaphore_mem>>)
    %dma_wait3A_10 = arith.constant 0 : i32
    %dma_wait3A_11 = arith.constant 0 : i32
    %dma_wait3A_12 = tpu.memref_slice %arg3[%dma_wait3A_10, %dma_wait3A_11] : memref<5000x128xf32, #tpu.memory_space<hbm>> -> memref<5000x128xf32, #tpu.memory_space<hbm>>
    tpu.wait_indirect_dma semaphore(%arg16 : memref<!tpu.dma_semaphore, #tpu.memory_space<semaphore_mem>>) src(%dma_wait3A_12 : memref<5000x128xf32, #tpu.memory_space<hbm>>) dst(%arg12 : memref<128x128xf32, #tpu.memory_space<vmem>>)
    %dma_start3A_13 = arith.constant 0 : i32
    %dma_start3A_14 = arith.constant 0 : i32
    %dma_start3A_15 = tpu.memref_slice %arg4[%dma_start3A_13, %dma_start3A_14] : memref<5120x128xf32, #tpu.memory_space<hbm>> -> memref<5120x128xf32, #tpu.memory_space<hbm>>
    tpu.enqueue_indirect_dma source(%dma_start3A_15 : memref<5120x128xf32, #tpu.memory_space<hbm>>) target(%arg13 : memref<128x128xf32, #tpu.memory_space<vmem>>) offsets(%arg9 : memref<128xi32, #tpu.memory_space<vmem>>) semaphore(%arg16 : memref<!tpu.dma_semaphore, #tpu.memory_space<semaphore_mem>>)
    %dma_wait3A_16 = arith.constant 0 : i32
    %dma_wait3A_17 = arith.constant 0 : i32
    %dma_wait3A_18 = tpu.memref_slice %arg4[%dma_wait3A_16, %dma_wait3A_17] : memref<5120x128xf32, #tpu.memory_space<hbm>> -> memref<5120x128xf32, #tpu.memory_space<hbm>>
    tpu.wait_indirect_dma semaphore(%arg16 : memref<!tpu.dma_semaphore, #tpu.memory_space<semaphore_mem>>) src(%dma_wait3A_18 : memref<5120x128xf32, #tpu.memory_space<hbm>>) dst(%arg13 : memref<128x128xf32, #tpu.memory_space<vmem>>)
    %dma_start3A_19 = arith.constant 0 : i32
    %dma_start3A_20 = arith.constant 0 : i32
    %dma_start3A_21 = tpu.memref_slice %arg5[%dma_start3A_19, %dma_start3A_20] : memref<5120x128xf32, #tpu.memory_space<hbm>> -> memref<5120x128xf32, #tpu.memory_space<hbm>>
    tpu.enqueue_indirect_dma source(%dma_start3A_21 : memref<5120x128xf32, #tpu.memory_space<hbm>>) target(%arg14 : memref<128x128xf32, #tpu.memory_space<vmem>>) offsets(%arg10 : memref<128xi32, #tpu.memory_space<vmem>>) semaphore(%arg16 : memref<!tpu.dma_semaphore, #tpu.memory_space<semaphore_mem>>)
    %dma_wait3A_22 = arith.constant 0 : i32
    %dma_wait3A_23 = arith.constant 0 : i32
    %dma_wait3A_24 = tpu.memref_slice %arg5[%dma_wait3A_22, %dma_wait3A_23] : memref<5120x128xf32, #tpu.memory_space<hbm>> -> memref<5120x128xf32, #tpu.memory_space<hbm>>
    tpu.wait_indirect_dma semaphore(%arg16 : memref<!tpu.dma_semaphore, #tpu.memory_space<semaphore_mem>>) src(%dma_wait3A_24 : memref<5120x128xf32, #tpu.memory_space<hbm>>) dst(%arg14 : memref<128x128xf32, #tpu.memory_space<vmem>>)
    %iota3A = tpu.iota {dimensions = array<i32: 0>} : vector<16xi32>
    %add3A_25 = arith.constant 0 : i32
    %add3A_26 = vector.broadcast %add3A_25 : i32 to vector<16xi32>
    %add3A_27 = arith.addi %iota3A, %add3A_26 : vector<16xi32>
    %broadcast_in_dim3A = arith.constant 0.000000e+00 : f32
    %broadcast_in_dim3A_28 = vector.broadcast %broadcast_in_dim3A : f32 to vector<16xf32>
    %scan3A = arith.constant 0 : i32
    %scan3A_29 = arith.constant 128 : i32
    %scan3A_30 = arith.addi %scan3A, %scan3A_29 : i32
    %scan3A_31 = arith.constant 1 : i32
    %scan3A_32 = scf.for %scan3A_126 = %scan3A to %scan3A_30 step %scan3A_31 iter_args(%scan3A_127 = %broadcast_in_dim3A_28) -> (vector<16xf32>)  : i32 {
      %broadcast_in_dim3A_128 = vector.broadcast %scan3A_126 : i32 to vector<16xi32>
      %gather3A = tpu.vector_load_idx %arg11[%add3A_27, %broadcast_in_dim3A_128] : memref<128x128xf32, #tpu.memory_space<vmem>>[vector<16xi32>, vector<16xi32>], vector<16xf32>,
      %gather3A_129 = tpu.vector_load_idx %arg12[%add3A_27, %broadcast_in_dim3A_128] : memref<128x128xf32, #tpu.memory_space<vmem>>[vector<16xi32>, vector<16xi32>], vector<16xf32>,
      %mul3A_130 = arith.mulf %gather3A, %gather3A_129 : vector<16xf32>
      %gather3A_131 = tpu.vector_load_idx %arg13[%add3A_27, %broadcast_in_dim3A_128] : memref<128x128xf32, #tpu.memory_space<vmem>>[vector<16xi32>, vector<16xi32>], vector<16xf32>,
      %gather3A_132 = tpu.vector_load_idx %arg14[%add3A_27, %broadcast_in_dim3A_128] : memref<128x128xf32, #tpu.memory_space<vmem>>[vector<16xi32>, vector<16xi32>], vector<16xf32>,
      %mul3A_133 = arith.mulf %gather3A_131, %gather3A_132 : vector<16xf32>
      %add3A_134 = arith.addf %scan3A_127, %mul3A_130 : vector<16xf32>
      %add3A_135 = arith.addf %add3A_134, %mul3A_133 : vector<16xf32>
      scf.yield %add3A_135 : vector<16xf32>
    }
    %scan3A_33 = arith.constant 128 : i32
    %swap3A = arith.constant 0 : index
    %swap3A_34 = tpu.vector_load %arg15[%swap3A] {strides = array<i32>} : memref<128xf32, #tpu.memory_space<vmem>>, vector<16xf32>,
    tpu.vector_store %arg15[%swap3A], %scan3A_32 {strides = array<i32>} : memref<128xf32, #tpu.memory_space<vmem>>, vector<16xf32>,
    %add3A_35 = arith.constant 16 : i32
    %add3A_36 = vector.broadcast %add3A_35 : i32 to vector<16xi32>
    %add3A_37 = arith.addi %iota3A, %add3A_36 : vector<16xi32>
    %broadcast_in_dim3A_38 = arith.constant 0.000000e+00 : f32
    %broadcast_in_dim3A_39 = vector.broadcast %broadcast_in_dim3A_38 : f32 to vector<16xf32>
    %scan3A_40 = arith.constant 0 : i32
    %scan3A_41 = arith.constant 128 : i32
    %scan3A_42 = arith.addi %scan3A_40, %scan3A_41 : i32
    %scan3A_43 = arith.constant 1 : i32
    %scan3A_44 = scf.for %scan3A_126 = %scan3A_40 to %scan3A_42 step %scan3A_43 iter_args(%scan3A_127 = %broadcast_in_dim3A_39) -> (vector<16xf32>)  : i32 {
      %broadcast_in_dim3A_128 = vector.broadcast %scan3A_126 : i32 to vector<16xi32>
      %gather3A = tpu.vector_load_idx %arg11[%add3A_37, %broadcast_in_dim3A_128] : memref<128x128xf32, #tpu.memory_space<vmem>>[vector<16xi32>, vector<16xi32>], vector<16xf32>,
      %gather3A_129 = tpu.vector_load_idx %arg12[%add3A_37, %broadcast_in_dim3A_128] : memref<128x128xf32, #tpu.memory_space<vmem>>[vector<16xi32>, vector<16xi32>], vector<16xf32>,
      %mul3A_130 = arith.mulf %gather3A, %gather3A_129 : vector<16xf32>
      %gather3A_131 = tpu.vector_load_idx %arg13[%add3A_37, %broadcast_in_dim3A_128] : memref<128x128xf32, #tpu.memory_space<vmem>>[vector<16xi32>, vector<16xi32>], vector<16xf32>,
      %gather3A_132 = tpu.vector_load_idx %arg14[%add3A_37, %broadcast_in_dim3A_128] : memref<128x128xf32, #tpu.memory_space<vmem>>[vector<16xi32>, vector<16xi32>], vector<16xf32>,
      %mul3A_133 = arith.mulf %gather3A_131, %gather3A_132 : vector<16xf32>
      %add3A_134 = arith.addf %scan3A_127, %mul3A_130 : vector<16xf32>
      %add3A_135 = arith.addf %add3A_134, %mul3A_133 : vector<16xf32>
      scf.yield %add3A_135 : vector<16xf32>
    }
    %scan3A_45 = arith.constant 128 : i32
    %swap3A_46 = arith.constant 16 : index
    %swap3A_47 = tpu.vector_load %arg15[%swap3A_46] {strides = array<i32>} : memref<128xf32, #tpu.memory_space<vmem>>, vector<16xf32>,
    tpu.vector_store %arg15[%swap3A_46], %scan3A_44 {strides = array<i32>} : memref<128xf32, #tpu.memory_space<vmem>>, vector<16xf32>,
    %add3A_48 = arith.constant 32 : i32
    %add3A_49 = vector.broadcast %add3A_48 : i32 to vector<16xi32>
    %add3A_50 = arith.addi %iota3A, %add3A_49 : vector<16xi32>
    %broadcast_in_dim3A_51 = arith.constant 0.000000e+00 : f32
    %broadcast_in_dim3A_52 = vector.broadcast %broadcast_in_dim3A_51 : f32 to vector<16xf32>
    %scan3A_53 = arith.constant 0 : i32
    %scan3A_54 = arith.constant 128 : i32
    %scan3A_55 = arith.addi %scan3A_53, %scan3A_54 : i32
    %scan3A_56 = arith.constant 1 : i32
    %scan3A_57 = scf.for %scan3A_126 = %scan3A_53 to %scan3A_55 step %scan3A_56 iter_args(%scan3A_127 = %broadcast_in_dim3A_52) -> (vector<16xf32>)  : i32 {
      %broadcast_in_dim3A_128 = vector.broadcast %scan3A_126 : i32 to vector<16xi32>
      %gather3A = tpu.vector_load_idx %arg11[%add3A_50, %broadcast_in_dim3A_128] : memref<128x128xf32, #tpu.memory_space<vmem>>[vector<16xi32>, vector<16xi32>], vector<16xf32>,
      %gather3A_129 = tpu.vector_load_idx %arg12[%add3A_50, %broadcast_in_dim3A_128] : memref<128x128xf32, #tpu.memory_space<vmem>>[vector<16xi32>, vector<16xi32>], vector<16xf32>,
      %mul3A_130 = arith.mulf %gather3A, %gather3A_129 : vector<16xf32>
      %gather3A_131 = tpu.vector_load_idx %arg13[%add3A_50, %broadcast_in_dim3A_128] : memref<128x128xf32, #tpu.memory_space<vmem>>[vector<16xi32>, vector<16xi32>], vector<16xf32>,
      %gather3A_132 = tpu.vector_load_idx %arg14[%add3A_50, %broadcast_in_dim3A_128] : memref<128x128xf32, #tpu.memory_space<vmem>>[vector<16xi32>, vector<16xi32>], vector<16xf32>,
      %mul3A_133 = arith.mulf %gather3A_131, %gather3A_132 : vector<16xf32>
      %add3A_134 = arith.addf %scan3A_127, %mul3A_130 : vector<16xf32>
      %add3A_135 = arith.addf %add3A_134, %mul3A_133 : vector<16xf32>
      scf.yield %add3A_135 : vector<16xf32>
    }
    %scan3A_58 = arith.constant 128 : i32
    %swap3A_59 = arith.constant 32 : index
    %swap3A_60 = tpu.vector_load %arg15[%swap3A_59] {strides = array<i32>} : memref<128xf32, #tpu.memory_space<vmem>>, vector<16xf32>,
    tpu.vector_store %arg15[%swap3A_59], %scan3A_57 {strides = array<i32>} : memref<128xf32, #tpu.memory_space<vmem>>, vector<16xf32>,
    %add3A_61 = arith.constant 48 : i32
    %add3A_62 = vector.broadcast %add3A_61 : i32 to vector<16xi32>
    %add3A_63 = arith.addi %iota3A, %add3A_62 : vector<16xi32>
    %broadcast_in_dim3A_64 = arith.constant 0.000000e+00 : f32
    %broadcast_in_dim3A_65 = vector.broadcast %broadcast_in_dim3A_64 : f32 to vector<16xf32>
    %scan3A_66 = arith.constant 0 : i32
    %scan3A_67 = arith.constant 128 : i32
    %scan3A_68 = arith.addi %scan3A_66, %scan3A_67 : i32
    %scan3A_69 = arith.constant 1 : i32
    %scan3A_70 = scf.for %scan3A_126 = %scan3A_66 to %scan3A_68 step %scan3A_69 iter_args(%scan3A_127 = %broadcast_in_dim3A_65) -> (vector<16xf32>)  : i32 {
      %broadcast_in_dim3A_128 = vector.broadcast %scan3A_126 : i32 to vector<16xi32>
      %gather3A = tpu.vector_load_idx %arg11[%add3A_63, %broadcast_in_dim3A_128] : memref<128x128xf32, #tpu.memory_space<vmem>>[vector<16xi32>, vector<16xi32>], vector<16xf32>,
      %gather3A_129 = tpu.vector_load_idx %arg12[%add3A_63, %broadcast_in_dim3A_128] : memref<128x128xf32, #tpu.memory_space<vmem>>[vector<16xi32>, vector<16xi32>], vector<16xf32>,
      %mul3A_130 = arith.mulf %gather3A, %gather3A_129 : vector<16xf32>
      %gather3A_131 = tpu.vector_load_idx %arg13[%add3A_63, %broadcast_in_dim3A_128] : memref<128x128xf32, #tpu.memory_space<vmem>>[vector<16xi32>, vector<16xi32>], vector<16xf32>,
      %gather3A_132 = tpu.vector_load_idx %arg14[%add3A_63, %broadcast_in_dim3A_128] : memref<128x128xf32, #tpu.memory_space<vmem>>[vector<16xi32>, vector<16xi32>], vector<16xf32>,
      %mul3A_133 = arith.mulf %gather3A_131, %gather3A_132 : vector<16xf32>
      %add3A_134 = arith.addf %scan3A_127, %mul3A_130 : vector<16xf32>
      %add3A_135 = arith.addf %add3A_134, %mul3A_133 : vector<16xf32>
      scf.yield %add3A_135 : vector<16xf32>
    }
    %scan3A_71 = arith.constant 128 : i32
    %swap3A_72 = arith.constant 48 : index
    %swap3A_73 = tpu.vector_load %arg15[%swap3A_72] {strides = array<i32>} : memref<128xf32, #tpu.memory_space<vmem>>, vector<16xf32>,
    tpu.vector_store %arg15[%swap3A_72], %scan3A_70 {strides = array<i32>} : memref<128xf32, #tpu.memory_space<vmem>>, vector<16xf32>,
    %add3A_74 = arith.constant 64 : i32
    %add3A_75 = vector.broadcast %add3A_74 : i32 to vector<16xi32>
    %add3A_76 = arith.addi %iota3A, %add3A_75 : vector<16xi32>
    %broadcast_in_dim3A_77 = arith.constant 0.000000e+00 : f32
    %broadcast_in_dim3A_78 = vector.broadcast %broadcast_in_dim3A_77 : f32 to vector<16xf32>
    %scan3A_79 = arith.constant 0 : i32
    %scan3A_80 = arith.constant 128 : i32
    %scan3A_81 = arith.addi %scan3A_79, %scan3A_80 : i32
    %scan3A_82 = arith.constant 1 : i32
    %scan3A_83 = scf.for %scan3A_126 = %scan3A_79 to %scan3A_81 step %scan3A_82 iter_args(%scan3A_127 = %broadcast_in_dim3A_78) -> (vector<16xf32>)  : i32 {
      %broadcast_in_dim3A_128 = vector.broadcast %scan3A_126 : i32 to vector<16xi32>
      %gather3A = tpu.vector_load_idx %arg11[%add3A_76, %broadcast_in_dim3A_128] : memref<128x128xf32, #tpu.memory_space<vmem>>[vector<16xi32>, vector<16xi32>], vector<16xf32>,
      %gather3A_129 = tpu.vector_load_idx %arg12[%add3A_76, %broadcast_in_dim3A_128] : memref<128x128xf32, #tpu.memory_space<vmem>>[vector<16xi32>, vector<16xi32>], vector<16xf32>,
      %mul3A_130 = arith.mulf %gather3A, %gather3A_129 : vector<16xf32>
      %gather3A_131 = tpu.vector_load_idx %arg13[%add3A_76, %broadcast_in_dim3A_128] : memref<128x128xf32, #tpu.memory_space<vmem>>[vector<16xi32>, vector<16xi32>], vector<16xf32>,
      %gather3A_132 = tpu.vector_load_idx %arg14[%add3A_76, %broadcast_in_dim3A_128] : memref<128x128xf32, #tpu.memory_space<vmem>>[vector<16xi32>, vector<16xi32>], vector<16xf32>,
      %mul3A_133 = arith.mulf %gather3A_131, %gather3A_132 : vector<16xf32>
      %add3A_134 = arith.addf %scan3A_127, %mul3A_130 : vector<16xf32>
      %add3A_135 = arith.addf %add3A_134, %mul3A_133 : vector<16xf32>
      scf.yield %add3A_135 : vector<16xf32>
    }
    %scan3A_84 = arith.constant 128 : i32
    %swap3A_85 = arith.constant 64 : index
    %swap3A_86 = tpu.vector_load %arg15[%swap3A_85] {strides = array<i32>} : memref<128xf32, #tpu.memory_space<vmem>>, vector<16xf32>,
    tpu.vector_store %arg15[%swap3A_85], %scan3A_83 {strides = array<i32>} : memref<128xf32, #tpu.memory_space<vmem>>, vector<16xf32>,
    %add3A_87 = arith.constant 80 : i32
    %add3A_88 = vector.broadcast %add3A_87 : i32 to vector<16xi32>
    %add3A_89 = arith.addi %iota3A, %add3A_88 : vector<16xi32>
    %broadcast_in_dim3A_90 = arith.constant 0.000000e+00 : f32
    %broadcast_in_dim3A_91 = vector.broadcast %broadcast_in_dim3A_90 : f32 to vector<16xf32>
    %scan3A_92 = arith.constant 0 : i32
    %scan3A_93 = arith.constant 128 : i32
    %scan3A_94 = arith.addi %scan3A_92, %scan3A_93 : i32
    %scan3A_95 = arith.constant 1 : i32
    %scan3A_96 = scf.for %scan3A_126 = %scan3A_92 to %scan3A_94 step %scan3A_95 iter_args(%scan3A_127 = %broadcast_in_dim3A_91) -> (vector<16xf32>)  : i32 {
      %broadcast_in_dim3A_128 = vector.broadcast %scan3A_126 : i32 to vector<16xi32>
      %gather3A = tpu.vector_load_idx %arg11[%add3A_89, %broadcast_in_dim3A_128] : memref<128x128xf32, #tpu.memory_space<vmem>>[vector<16xi32>, vector<16xi32>], vector<16xf32>,
      %gather3A_129 = tpu.vector_load_idx %arg12[%add3A_89, %broadcast_in_dim3A_128] : memref<128x128xf32, #tpu.memory_space<vmem>>[vector<16xi32>, vector<16xi32>], vector<16xf32>,
      %mul3A_130 = arith.mulf %gather3A, %gather3A_129 : vector<16xf32>
      %gather3A_131 = tpu.vector_load_idx %arg13[%add3A_89, %broadcast_in_dim3A_128] : memref<128x128xf32, #tpu.memory_space<vmem>>[vector<16xi32>, vector<16xi32>], vector<16xf32>,
      %gather3A_132 = tpu.vector_load_idx %arg14[%add3A_89, %broadcast_in_dim3A_128] : memref<128x128xf32, #tpu.memory_space<vmem>>[vector<16xi32>, vector<16xi32>], vector<16xf32>,
      %mul3A_133 = arith.mulf %gather3A_131, %gather3A_132 : vector<16xf32>
      %add3A_134 = arith.addf %scan3A_127, %mul3A_130 : vector<16xf32>
      %add3A_135 = arith.addf %add3A_134, %mul3A_133 : vector<16xf32>
      scf.yield %add3A_135 : vector<16xf32>
    }
    %scan3A_97 = arith.constant 128 : i32
    %swap3A_98 = arith.constant 80 : index
    %swap3A_99 = tpu.vector_load %arg15[%swap3A_98] {strides = array<i32>} : memref<128xf32, #tpu.memory_space<vmem>>, vector<16xf32>,
    tpu.vector_store %arg15[%swap3A_98], %scan3A_96 {strides = array<i32>} : memref<128xf32, #tpu.memory_space<vmem>>, vector<16xf32>,
    %add3A_100 = arith.constant 96 : i32
    %add3A_101 = vector.broadcast %add3A_100 : i32 to vector<16xi32>
    %add3A_102 = arith.addi %iota3A, %add3A_101 : vector<16xi32>
    %broadcast_in_dim3A_103 = arith.constant 0.000000e+00 : f32
    %broadcast_in_dim3A_104 = vector.broadcast %broadcast_in_dim3A_103 : f32 to vector<16xf32>
    %scan3A_105 = arith.constant 0 : i32
    %scan3A_106 = arith.constant 128 : i32
    %scan3A_107 = arith.addi %scan3A_105, %scan3A_106 : i32
    %scan3A_108 = arith.constant 1 : i32
    %scan3A_109 = scf.for %scan3A_126 = %scan3A_105 to %scan3A_107 step %scan3A_108 iter_args(%scan3A_127 = %broadcast_in_dim3A_104) -> (vector<16xf32>)  : i32 {
      %broadcast_in_dim3A_128 = vector.broadcast %scan3A_126 : i32 to vector<16xi32>
      %gather3A = tpu.vector_load_idx %arg11[%add3A_102, %broadcast_in_dim3A_128] : memref<128x128xf32, #tpu.memory_space<vmem>>[vector<16xi32>, vector<16xi32>], vector<16xf32>,
      %gather3A_129 = tpu.vector_load_idx %arg12[%add3A_102, %broadcast_in_dim3A_128] : memref<128x128xf32, #tpu.memory_space<vmem>>[vector<16xi32>, vector<16xi32>], vector<16xf32>,
      %mul3A_130 = arith.mulf %gather3A, %gather3A_129 : vector<16xf32>
      %gather3A_131 = tpu.vector_load_idx %arg13[%add3A_102, %broadcast_in_dim3A_128] : memref<128x128xf32, #tpu.memory_space<vmem>>[vector<16xi32>, vector<16xi32>], vector<16xf32>,
      %gather3A_132 = tpu.vector_load_idx %arg14[%add3A_102, %broadcast_in_dim3A_128] : memref<128x128xf32, #tpu.memory_space<vmem>>[vector<16xi32>, vector<16xi32>], vector<16xf32>,
      %mul3A_133 = arith.mulf %gather3A_131, %gather3A_132 : vector<16xf32>
      %add3A_134 = arith.addf %scan3A_127, %mul3A_130 : vector<16xf32>
      %add3A_135 = arith.addf %add3A_134, %mul3A_133 : vector<16xf32>
      scf.yield %add3A_135 : vector<16xf32>
    }
    %scan3A_110 = arith.constant 128 : i32
    %swap3A_111 = arith.constant 96 : index
    %swap3A_112 = tpu.vector_load %arg15[%swap3A_111] {strides = array<i32>} : memref<128xf32, #tpu.memory_space<vmem>>, vector<16xf32>,
    tpu.vector_store %arg15[%swap3A_111], %scan3A_109 {strides = array<i32>} : memref<128xf32, #tpu.memory_space<vmem>>, vector<16xf32>,
    %add3A_113 = arith.constant 112 : i32
    %add3A_114 = vector.broadcast %add3A_113 : i32 to vector<16xi32>
    %add3A_115 = arith.addi %iota3A, %add3A_114 : vector<16xi32>
    %broadcast_in_dim3A_116 = arith.constant 0.000000e+00 : f32
    %broadcast_in_dim3A_117 = vector.broadcast %broadcast_in_dim3A_116 : f32 to vector<16xf32>
    %scan3A_118 = arith.constant 0 : i32
    %scan3A_119 = arith.constant 128 : i32
    %scan3A_120 = arith.addi %scan3A_118, %scan3A_119 : i32
    %scan3A_121 = arith.constant 1 : i32
    %scan3A_122 = scf.for %scan3A_126 = %scan3A_118 to %scan3A_120 step %scan3A_121 iter_args(%scan3A_127 = %broadcast_in_dim3A_117) -> (vector<16xf32>)  : i32 {
      %broadcast_in_dim3A_128 = vector.broadcast %scan3A_126 : i32 to vector<16xi32>
      %gather3A = tpu.vector_load_idx %arg11[%add3A_115, %broadcast_in_dim3A_128] : memref<128x128xf32, #tpu.memory_space<vmem>>[vector<16xi32>, vector<16xi32>], vector<16xf32>,
      %gather3A_129 = tpu.vector_load_idx %arg12[%add3A_115, %broadcast_in_dim3A_128] : memref<128x128xf32, #tpu.memory_space<vmem>>[vector<16xi32>, vector<16xi32>], vector<16xf32>,
      %mul3A_130 = arith.mulf %gather3A, %gather3A_129 : vector<16xf32>
      %gather3A_131 = tpu.vector_load_idx %arg13[%add3A_115, %broadcast_in_dim3A_128] : memref<128x128xf32, #tpu.memory_space<vmem>>[vector<16xi32>, vector<16xi32>], vector<16xf32>,
      %gather3A_132 = tpu.vector_load_idx %arg14[%add3A_115, %broadcast_in_dim3A_128] : memref<128x128xf32, #tpu.memory_space<vmem>>[vector<16xi32>, vector<16xi32>], vector<16xf32>,
      %mul3A_133 = arith.mulf %gather3A_131, %gather3A_132 : vector<16xf32>
      %add3A_134 = arith.addf %scan3A_127, %mul3A_130 : vector<16xf32>
      %add3A_135 = arith.addf %add3A_134, %mul3A_133 : vector<16xf32>
      scf.yield %add3A_135 : vector<16xf32>
    }
    %scan3A_123 = arith.constant 128 : i32
    %swap3A_124 = arith.constant 112 : index
    %swap3A_125 = tpu.vector_load %arg15[%swap3A_124] {strides = array<i32>} : memref<128xf32, #tpu.memory_space<vmem>>, vector<16xf32>,
    tpu.vector_store %arg15[%swap3A_124], %scan3A_122 {strides = array<i32>} : memref<128xf32, #tpu.memory_space<vmem>>, vector<16xf32>,
    "tpu.region"() ({
      %run_scoped3A = tpu.sem_alloc : memref<!tpu.dma_semaphore, #tpu.memory_space<semaphore_mem>>
      %dma_start3A_126 = tpu.memref_slice %arg8[%mul3A_2] : memref<4096xf32, #tpu.memory_space<hbm>> -> memref<128xf32, #tpu.memory_space<hbm>>
      %dma_start3A_127 = tpu.memref_slice %arg8[%mul3A_2] : memref<4096xf32, #tpu.memory_space<hbm>> -> memref<128xf32, #tpu.memory_space<hbm>>
      tpu.enqueue_dma source(%arg15 : memref<128xf32, #tpu.memory_space<vmem>>) target(%dma_start3A_127 : memref<128xf32, #tpu.memory_space<hbm>>) target_semaphore(%run_scoped3A : memref<!tpu.dma_semaphore, #tpu.memory_space<semaphore_mem>>)
      %dma_wait3A_128 = tpu.memref_slice %arg8[%mul3A_2] : memref<4096xf32, #tpu.memory_space<hbm>> -> memref<128xf32, #tpu.memory_space<hbm>>
      %dma_wait3A_129 = tpu.memref_slice %arg8[%mul3A_2] : memref<4096xf32, #tpu.memory_space<hbm>> -> memref<128xf32, #tpu.memory_space<hbm>>
      tpu.wait_dma2 semaphore(%run_scoped3A : memref<!tpu.dma_semaphore, #tpu.memory_space<semaphore_mem>>) src(%arg15 : memref<128xf32, #tpu.memory_space<vmem>>) dst(%dma_wait3A_129 : memref<128xf32, #tpu.memory_space<hbm>>)
      tpu.yield
    }) : () -> ()
    return
  }
}

module attributes {stable_mosaic.version = 14 : i64} {
  func.func @_dense_kernel(%arg0: i32, %arg1: i32, %arg2: memref<1x1280x128xf32, #tpu.memory_space<vmem>>, %arg3: memref<1x1280x128xf32, #tpu.memory_space<vmem>>, %arg4: memref<128x128xf32, #tpu.memory_space<vmem>>, %arg5: memref<128x128xf32, #tpu.memory_space<vmem>>, %arg6: memref<1x1280x128xf32, #tpu.memory_space<vmem>>) attributes {dimension_semantics = [#tpu.dimension_semantics<arbitrary>, #tpu.dimension_semantics<arbitrary>], iteration_bounds = array<i64: 2, 4>, scalar_prefetch = 0 : i64, scratch_operands = 0 : i64, tpu.core_type = #tpu.core_type<tc>, window_params = [{transform_indices = @transform_0, window_bounds = array<i64: 1, 1280, 128>}, {transform_indices = @transform_1, window_bounds = array<i64: 1, 1280, 128>}, {pipeline_mode = #tpu.pipeline_mode<synchronous>, transform_indices = @transform_2, window_bounds = array<i64: 128, 128>}, {pipeline_mode = #tpu.pipeline_mode<synchronous>, transform_indices = @transform_3, window_bounds = array<i64: 128, 128>}, {transform_indices = @transform_4, window_bounds = array<i64: 1, 1280, 128>}]} {
    %get3A = arith.constant 0 : index
    %get3A_0 = arith.constant 0 : index
    %get3A_1 = arith.constant 0 : index
    %get3A_2 = vector.load %arg2[%get3A, %get3A_0, %get3A_1] : memref<1x1280x128xf32, #tpu.memory_space<vmem>>, vector<1x1280x128xf32>
    %get3A_3 = vector.shape_cast %get3A_2 : vector<1x1280x128xf32> to vector<1280x128xf32>
    %get3A_4 = arith.constant 0 : index
    %get3A_5 = arith.constant 0 : index
    %get3A_6 = arith.constant 0 : index
    %get3A_7 = vector.load %arg3[%get3A_4, %get3A_5, %get3A_6] : memref<1x1280x128xf32, #tpu.memory_space<vmem>>, vector<1x1280x128xf32>
    %get3A_8 = vector.shape_cast %get3A_7 : vector<1x1280x128xf32> to vector<1280x128xf32>
    %get3A_9 = arith.constant 0 : index
    %get3A_10 = arith.constant 0 : index
    %get3A_11 = vector.load %arg4[%get3A_9, %get3A_10] : memref<128x128xf32, #tpu.memory_space<vmem>>, vector<128x128xf32>
    %dot_general3A = arith.constant dense<0.000000e+00> : vector<1280x128xf32>
    %dot_general3A_12 = tpu.matmul %get3A_3, %get3A_11, %dot_general3A {dimension_numbers = #tpu.dot_dimension_numbers<[1], [0], [0], [1], [0, 0, 1, 1], [], []>, transpose_lhs_hint = false} : vector<1280x128xf32>, vector<128x128xf32>, vector<1280x128xf32> -> vector<1280x128xf32>
    %mul3A = arith.mulf %get3A_8, %get3A_3 : vector<1280x128xf32>
    %get3A_13 = arith.constant 0 : index
    %get3A_14 = arith.constant 0 : index
    %get3A_15 = vector.load %arg5[%get3A_13, %get3A_14] : memref<128x128xf32, #tpu.memory_space<vmem>>, vector<128x128xf32>
    %dot_general3A_16 = arith.constant dense<0.000000e+00> : vector<1280x128xf32>
    %dot_general3A_17 = tpu.matmul %mul3A, %get3A_15, %dot_general3A_16 {dimension_numbers = #tpu.dot_dimension_numbers<[1], [0], [0], [1], [0, 0, 1, 1], [], []>, transpose_lhs_hint = false} : vector<1280x128xf32>, vector<128x128xf32>, vector<1280x128xf32> -> vector<1280x128xf32>
    %add3A = arith.addf %dot_general3A_12, %dot_general3A_17 : vector<1280x128xf32>
    %ge3A = arith.constant 0.000000e+00 : f32
    %ge3A_18 = vector.broadcast %ge3A : f32 to vector<1280x128xf32>
    %ge3A_19 = arith.cmpf oge, %add3A, %ge3A_18 : vector<1280x128xf32>
    %mul3A_20 = arith.constant 2.000000e-01 : f32
    %mul3A_21 = vector.broadcast %mul3A_20 : f32 to vector<1280x128xf32>
    %mul3A_22 = arith.mulf %mul3A_21, %add3A : vector<1280x128xf32>
    %select_n3A = arith.select %ge3A_19, %add3A, %mul3A_22 : vector<1280x128xi1>, vector<1280x128xf32>
    %mul3A_23 = arith.mulf %select_n3A, %select_n3A : vector<1280x128xf32>
    %reduce_sum3A = arith.constant dense<0.000000e+00> : vector<1280xf32>
    %reduce_sum3A_24 = vector.multi_reduction <add>, %mul3A_23, %reduce_sum3A [1] : vector<1280x128xf32> to vector<1280xf32>
    %broadcast_in_dim3A = vector.shape_cast %reduce_sum3A_24 : vector<1280xf32> to vector<1280x1xf32>
    %sqrt3A = math.sqrt %broadcast_in_dim3A : vector<1280x1xf32>
    %max3A = arith.constant 9.99999996E-13 : f32
    %max3A_25 = vector.broadcast %max3A : f32 to vector<1280x1xf32>
    %max3A_26 = arith.maximumf %sqrt3A, %max3A_25 : vector<1280x1xf32>
    %div3A = vector.broadcast %max3A_26 : vector<1280x1xf32> to vector<1280x128xf32>
    %div3A_27 = arith.divf %select_n3A, %div3A : vector<1280x128xf32>
    %swap3A = arith.constant 0 : index
    %swap3A_28 = arith.constant 0 : index
    %swap3A_29 = arith.constant 0 : index
    %swap3A_30 = vector.load %arg6[%swap3A, %swap3A_28, %swap3A_29] : memref<1x1280x128xf32, #tpu.memory_space<vmem>>, vector<1x1280x128xf32>
    %swap3A_31 = vector.shape_cast %swap3A_30 : vector<1x1280x128xf32> to vector<1280x128xf32>
    %swap3A_32 = vector.shape_cast %div3A_27 : vector<1280x128xf32> to vector<1x1280x128xf32>
    tpu.vector_store %arg6[%swap3A, %swap3A_28, %swap3A_29], %swap3A_32 {strides = array<i32>} : memref<1x1280x128xf32, #tpu.memory_space<vmem>>, vector<1x1280x128xf32>,
    return
  }
  func.func @transform_0(%arg0: i32, %arg1: i32) -> (i32, i32, i32) {
    %c0_i32 = arith.constant 0 : i32
    %c0_i32_0 = arith.constant 0 : i32
    return %arg0, %arg1, %c0_i32 : i32, i32, i32
  }
  func.func @transform_1(%arg0: i32, %arg1: i32) -> (i32, i32, i32) {
    %c0_i32 = arith.constant 0 : i32
    %c0_i32_0 = arith.constant 0 : i32
    return %arg0, %arg1, %c0_i32 : i32, i32, i32
  }
  func.func @transform_2(%arg0: i32, %arg1: i32) -> (i32, i32) {
    %c0_i32 = arith.constant 0 : i32
    %c0_i32_0 = arith.constant 0 : i32
    %c0_i32_1 = arith.constant 0 : i32
    return %c0_i32, %c0_i32_0 : i32, i32
  }
  func.func @transform_3(%arg0: i32, %arg1: i32) -> (i32, i32) {
    %c0_i32 = arith.constant 0 : i32
    %c0_i32_0 = arith.constant 0 : i32
    %c0_i32_1 = arith.constant 0 : i32
    return %c0_i32, %c0_i32_0 : i32, i32
  }
  func.func @transform_4(%arg0: i32, %arg1: i32) -> (i32, i32, i32) {
    %c0_i32 = arith.constant 0 : i32
    %c0_i32_0 = arith.constant 0 : i32
    return %arg0, %arg1, %c0_i32 : i32, i32, i32
  }
}

</mosaic_0001>

<sc_bundles>
// kernel: kernel.5.cloned.1.call-start
scs
__scs_entry_jumppad:
0x0: {  	(pc) =	sbr.rel $0x88, $3  }
0x1: {  	(tag) =	ssettag $0x0;
	lr =	simm.s32 $0x1  }
0x2: {  	[smem:$0x3F97] =	sst lr;
	_ =	strace $0xD0000000  }
0x3: {  	_ = 	snop  }
0x4: {  	_ = 	snop  }
0x5: {  	_ = 	snop  }
0x6: {  	_ = 	snop  }
0x7: {  	_ = 	snop  }
__scs_overlays_trampoline_lowered:
0x8: {  	[smem:$0x3FA6] =	sst s0  }
0x9: {  	[smem:$0x3FA7] =	sst s1  }
0xa: {  	[smem:$0x3FA8] =	sst s2  }
0xb: {  	[smem:$0x3FA9] =	sst s3  }
0xc: {  	[smem:$0x3FAA] =	sst s4  }
0xd: {  	[smem:$0x3FAB] =	sst s5  }
0xe: {  	[smem:$0x3FAC] =	sst s6  }
0xf: {  	[smem:$0x3FAD] =	sst s7  }
0x10: {  	[smem:$0x3FAE] =	sst s8  }
0x11: {  	[smem:$0x3FAF] =	sst s9;
	s0 =	simm.s32 @!p0 $0x0  }
0x12: {  	s1 =	sld [smem:$0x3F95];
	s0 =	simm.s32 @p0 $0x1  }
0x13: {  	[smem:$0x3FB0] =	sst s0;
	s0 =	simm.s32 @!p1 $0x0  }
0x14: {  	s2 =	sld [smem:$0x3F94];
	s0 =	simm.s32 @p1 $0x1  }
0x15: {  	[smem:$0x3FB1] =	sst s0;
	s0 =	simm.s32 @!p2 $0x0  }
0x16: {  	s3 =	sld [smem:$0x3FDB];
	s0 =	simm.s32 @p2 $0x1  }
0x17: {  	s4 =	simm.s32 $0x1BF5;
	[smem:$0x3FB3] =	sst s0  }
0x18: {  	s0 =	sld [smem:$0x3F96];
	_ =	swait.ge [sflag:s4], $0x0  }
0x19: {  	s7 =	sld [smem:$0x3F97]  }
0x1a: {  	s8 =	sadd.s32 $0xFFFFE003, lr  }
0x1b: {  	s9 =	sadd.s32 $0xFFFFFEF7, lr;
	s5 =	simm.s32 $0xFFFFFFFF;
	p2 =	slt.u32 s8, $0xFFFFF086  }
0x1c: {  	p1 =	slt.u32 s9, $0xF7A;
	s5 =	simm.s32 @!p2 $0x0  }
0x1d: {  	s5 =	simm.s32 @p1 $0x1;
	p0 =	seq.s32 s7, s2  }
0x1e: {  	s7 =	smul.u32 @!p0 $0xF7A, s2;
	p2 =	seq.s32 @!p0 s5, $0x0  }
0x1f: {  	s9 =	smul.u32 $0xF7A, s1;
	s8 =	simm.s32 @!p0 $0x1BF5;
	p2 =	por !p2, p0  }
0x20: {  	[sflag:s8] =	ssyncset.s32 @!p0 $0xFFFFF086;
	s6 =	sadd.s32 @!p0 s3, s7;
	s7 =	simm.s32 @!p0 $0x108  }
0x21: {  	s3 =	sadd.s32 s3, s9;
	s6 =	sadd.s32 @!p0 $0x88, s6;
	s7 =	simm.s32 @p2 $0x1082  }
0x22: {  	[simem:s7], [sflag:s8] =	dma.local @!p0 [hbm:s6], $0xF7A  }
0x23: {  	s9 =	sor.u32 $0xD0000000, s2;
	s6 =	simm.s32 $0x108;
	_ =	swait.ge @!p0 [sflag:s8], $0x0  }
0x24: {  	s3 =	sadd.s32 $0x88, s3;
	s6 =	simm.s32 @!p1 $0x1082;
	[sflag:s4] =	ssyncset.s32 $0xFFFFF086  }
0x25: {  	[simem:s6], [sflag:s4] =	dma.local [hbm:s3], $0xF7A  }
0x26: {  	[smem:$0x3F97] =	sst s1;
	(tag) =	ssettag s2;
	_ =	strace s9  }
0x27: {  	s1 =	sld [smem:$0x3FA7]  }
0x28: {  	s2 =	sld [smem:$0x3FA8]  }
0x29: {  	s4 =	sld [smem:$0x3FAA]  }
0x2a: {  	p0 =	seq.s32 s5, $0x0;
	s5 =	sld [smem:$0x3FAB]  }
0x2b: {  	s6 =	sld [smem:$0x3FAC]  }
0x2c: {  	s7 =	sld [smem:$0x3FAD]  }
0x2d: {  	s3 =	simm.s32 $0x108;
	s8 =	sld [smem:$0x3FAE]  }
0x2e: {  	s3 =	simm.s32 @!p0 $0x1082;
	s9 =	sld [smem:$0x3FAF]  }
0x2f: {  	lr =	sadd.s32 s0, s3;
	s0 =	sld [smem:$0x3FA6]  }
0x30: {  	s3 =	sld [smem:$0x3FA9]  }
0x31: {  	[smem:$0x3FB2] =	sst s10  }
0x32: {  	s10 =	sld [smem:$0x3FB0];
	_ =	sdelay $0x3  }
0x33: {  	p0 =	seq.s32 s10, $0x1;
	s10 =	sld [smem:$0x3FB2];
	_ =	sdelay $0x3  }
0x34: {  	[smem:$0x3FB2] =	sst s10  }
0x35: {  	s10 =	sld [smem:$0x3FB1];
	_ =	sdelay $0x3  }
0x36: {  	p1 =	seq.s32 s10, $0x1;
	s10 =	sld [smem:$0x3FB2];
	_ =	sdelay $0x3  }
0x37: {  	[smem:$0x3FB2] =	sst s10  }
0x38: {  	s10 =	sld [smem:$0x3FB3]  }
0x39: {  	_ = 	snop;
	(pc) =	sbr.ind lr, $3  }
0x3a: {  	_ = 	snop  }
0x3b: {  	_ = 	snop  }
0x3c: {  	p2 =	seq.s32 s10, $0x1;
	s10 =	sld [smem:$0x3FB2]  }
0x3d: {  	_ =	shalt  }
0x3e: {  	_ =	shalt  }
0x3f: {  	_ =	shalt  }
0x40: {  	_ =	shalt  }
0x41: {  	_ =	shalt  }
0x42: {  	_ =	shalt  }
0x43: {  	_ =	shalt  }
0x44: {  	_ =	shalt  }
0x45: {  	_ =	shalt  }
0x46: {  	_ =	shalt  }
0x47: {  	_ =	shalt  }
0x48: {  	_ =	shalt  }
0x49: {  	_ =	shalt  }
0x4a: {  	_ =	shalt  }
0x4b: {  	_ =	shalt  }
0x4c: {  	_ =	shalt  }
0x4d: {  	_ =	shalt  }
0x4e: {  	_ =	shalt  }
0x4f: {  	_ =	shalt  }
0x50: {  	_ =	shalt  }
0x51: {  	_ =	shalt  }
0x52: {  	_ =	shalt  }
0x53: {  	_ =	shalt  }
0x54: {  	_ =	shalt  }
0x55: {  	_ =	shalt  }
0x56: {  	_ =	shalt  }
0x57: {  	_ =	shalt  }
0x58: {  	_ =	shalt  }
0x59: {  	_ =	shalt  }
0x5a: {  	_ =	shalt  }
0x5b: {  	_ =	shalt  }
0x5c: {  	_ =	shalt  }
0x5d: {  	_ =	shalt  }
0x5e: {  	_ =	shalt  }
0x5f: {  	_ =	shalt  }
0x60: {  	_ =	shalt  }
0x61: {  	_ =	shalt  }
0x62: {  	_ =	shalt  }
0x63: {  	_ =	shalt  }
0x64: {  	_ =	shalt  }
0x65: {  	_ =	shalt  }
0x66: {  	_ =	shalt  }
0x67: {  	_ =	shalt  }
0x68: {  	_ =	shalt  }
0x69: {  	_ =	shalt  }
0x6a: {  	_ =	shalt  }
0x6b: {  	_ =	shalt  }
0x6c: {  	_ =	shalt  }
0x6d: {  	_ =	shalt  }
0x6e: {  	_ =	shalt  }
0x6f: {  	_ =	shalt  }
0x70: {  	_ =	shalt  }
0x71: {  	_ =	shalt  }
0x72: {  	_ =	shalt  }
0x73: {  	_ =	shalt  }
0x74: {  	_ =	shalt  }
0x75: {  	_ =	shalt  }
0x76: {  	_ =	shalt  }
0x77: {  	_ =	shalt  }
0x78: {  	_ =	shalt  }
0x79: {  	_ =	shalt  }
0x7a: {  	_ =	shalt  }
0x7b: {  	_ =	shalt  }
0x7c: {  	_ =	shalt  }
0x7d: {  	_ =	shalt  }
0x7e: {  	_ =	shalt  }
0x7f: {  	_ =	shalt  }
0x80: {  	_ =	shalt  }
0x81: {  	_ =	shalt  }
0x82: {  	_ =	shalt  }
0x83: {  	_ =	shalt  }
0x84: {  	_ =	shalt  }
0x85: {  	_ =	shalt  }
0x86: {  	_ =	shalt  }
0x87: {  	_ =	shalt  }
.Lfunc_end0:
.L_simem_size_0:
called_computation_lowered:
.L_overlay_start_0:
0x88: {  	s2 =	sld [smem:$0x3FD9]  }
0x89: {  	s3 =	sld [smem:$0x3FFE];
	_ =	sdelay $0x1  }
0x8a: {  	s1 =	srdreg.scid  }
0x8b: {  	s0 =	sand.u32 $0x1, s1  }
0x8c: {  	s16 =	sshll.u32 s0, $0xA;
	s2 =	sadd.s32 s3, s2  }
0x8d: {  	s2 =	sadd.s32 s2, s16  }
0x8e: {  	[smem:$0x3FBE] =	sst s2  }
0x8f: {  	_ = 	snop  }
0x90: {  	(tm) =	ssettm $0x1  }
0x91: {  	s17 =	sld [smem:$0x3FFB];
	_ =	sdelay $0x3  }
0x92: {  	_ =	strace s17  }
0x93: {  	s2 =	sld [smem:$0x3FFC];
	_ =	sdelay $0x3  }
0x94: {  	_ =	strace s2  }
0x95: {  	s2 =	sld [smem:$0x3FFD];
	_ =	sdelay $0x3  }
0x96: {  	_ =	strace s2  }
0x97: {  	_ =	strace $0x8FFFFFFF  }
0x98: {  	s18 =	sld [smem:$0x3FDB];
	_ =	sdelay $0x1  }
0x99: {  	s19 =	simm.s32 $_scs_section_size  }
0x9a: {  	s4 =	simm.s32 $_size__tile_overlayer_lowered;
	s5 =	simm.s32 $_tile_overlayer_lowered  }
0x9b: {  	s22 =	simm.s32 $0x1BFF;
	s21 =	sshll.u32 s5, $0x1;
	s2 =	sadd.s32 s19, s18  }
0x9c: {  	s6 =	simm.s32 $0x0;
	s20 =	sshll.u32 s4, $0x1;
	s4 =	sadd.s32 s21, s2  }
0x9d: {  	[timem:s6], [sflag:s22] =	dma.local [hbm:s4], s20  }
0x9e: {  	_ =	swait.ge [sflag:s22], s20  }
0x9f: {  	s3 =	ssub.s32 $0x0, s20;
	[sflag:s22] =	ssyncset.done $0x0  }
0xa0: {  	[sflag:s22] =	ssyncadd.s32 s3;
	_ =	sdelay $0x1  }
0xa1: {  	s23 =	simm.s32 $0x1B8B  }
0xa2: {  	_ =	swait.ge [sflag:s23], $0x1  }
0xa3: {  	[sflag:s23] =	ssyncset.done $0x0  }
0xa4: {  	s25 =	simm.s32 $0x1B8E;
	s24 =	sld [smem:$0x3FFE];
	[sflag:s23] =	ssyncadd.s32 $0xFFFFFFFF  }
0xa5: {  	s26 =	simm.s32 $execute0_lowered;
	[smem:$0x3FD2] =	sst s25  }
0xa6: {  	s4 =	sshll.u32 s26, $0x1;
	_ =	strace $0x80000046;
	[dreg:$0x1] =	wrdreg $0xFFFFFFFF  }
0xa7: {  	s28 =	simm.s32 $_size_execute0_lowered;
	s2 =	sadd.s32 s2, s4;
	[dreg:$0x0] =	wrdreg $0x0  }
0xa8: {  	s4 =	sshll.u32 s28, $0x1;
	[dreg:$0x2] =	wrdreg s2  }
0xa9: {  	[dreg:$0x3] =	wrdreg s4  }
0xaa: {  	[dreg:$0x4] =	wrdreg $0xC0  }
0xab: {  	_ =	task [dreg:s6], $0x5FFFF  }
0xac: {  	[dreg:$0x1] =	wrdreg $0xFFFFFFFF  }
0xad: {  	[dreg:$0x0] =	wrdreg $0x60  }
0xae: {  	[dreg:$0x2] =	wrdreg s24  }
0xaf: {  	[dreg:$0x3] =	wrdreg $0x0  }
0xb0: {  	[dreg:$0x4] =	wrdreg $0x9  }
0xb1: {  	_ =	task.clear_ibuf [dreg:s6], $0x5FFFF;
	_ =	strace $0x90000046  }
0xb2: {  	s29 =	simm.s32 $0x9;
	_ =	strace $0x80000048  }
0xb3: {  	_ =	swait.ge [sflag:s29], $0x1  }
0xb4: {  	[sflag:s29] =	ssyncadd.s32 $0xFFFFFFFF  }
0xb5: {  	_ =	strace $0x90000048  }
0xb6: {  	_ =	sfence  }
0xb7: {  	s30 =	sld [smem:$0x0];
	_ =	sdelay $0x2  }
0xb8: {  	s31 =	sshll.u32 s1, $0xD;
	s1 =	sshrl.u32 s1, $0x2  }
0xb9: {  	s3 =	sand.u32 $0x4000, s31;
	s1 =	sadd.s32 s1, s30  }
0xba: {  	s0 =	sor.u32 s3, s0;
	s1 =	sshll.u32 s1, $0x11  }
0xbb: {  	s0 =	sor.u32 s1, s0  }
0xbc: {  	s0 =	sadd.s32 $0x8F2B, s0  }
0xbd: {  	[sflag:s0] =	ssyncadd.remote.s32 $0x1  }
0xbe: {  	_ =	sfence.sel $0xFFFF  }
0xbf: {  	[dreg:$0x0] =	wrdreg $0xFFFFFFFF;
	(pc) =	sbr.abs _section_cstart, $3  }
0xc0: {  	[dreg:$0x1] =	wrdreg $0xFFFFFFFF  }
0xc1: {  	_ =	task.clear_ibuf [dreg:s6], $0x2FFFF;
	_ =	strace $0x9FFFFFFF  }
0xc2: {  	(tm) =	ssettm $0x7FFFFFFF  }
0xc3: {  	_ =	shalt  }
tec
execute0_lowered:
.L_overlay_start_1:
0x0: {  	(tag) =	ssettag $0x1  }
0x1: {  	s5 =	rddreg [dreg:$0x0]  }
0x2: {  	s0 =	srdreg.scid;
	s2 =	rddreg [dreg:$0x1]  }
0x3: {  	s1 =	rddreg [dreg:$0x2];
	s3 =	simm.s32 $0x0;
	s14 =	simm.s32 $0xA000  }
0x4: {  	s15 =	simm.s32 $0xF000;
	s16 =	simm.s32 $0x14000;
	s6 =	sand.u32 $0x1, s0  }
0x5: {  	s17 =	simm.s32 $0x80;
	s0 =	stileid.u32;
	s4 =	smul.u32 $0x50000, s6  }
0x6: {  	s18 =	simm.s32 $0x19000;
	s19 =	simm.s32 $0x1;
	s7 =	smul.u32 $0x5000, s0  }
0x7: {  	s20 =	simm.s32 $0x0;
	[smem:$0x7FF] =	sst s3;
	s26 =	smul.u32 $0xA000, s0  }
0x8: {  	_ =	strace $0x80000047;
	s9 =	smul.u32 $0xA0000, s6;
	s6 =	ssub.s32 $0x2, s6  }
0x9: {  	s29 =	smul.u32 $0x28000, s0;
	s31 =	sshll.u32 s0, $0x6;
	s11 =	sshrl.u32 s6, $0x1  }
0xa: {  	s4 =	sadd.s32 s7, s4;
	s28 =	sshrl.u32 s26, $0x3;
	s7 =	sadd.s32 s26, s9  }
0xb: {  	s11 =	ssub.s32 s6, s11;
	s30 =	sshrl.u32 s29, $0x2;
	s6 =	sor.u32 $0x1C02, s31  }
0xc: {  	s8 =	sshrl.u32 s4, $0x3;
	s4 =	sadd.s32 $0x1800, s5;
	s7 =	sshrl.u32 s7, $0x3  }
0xd: {  	s13 =	sadd.s32 s30, s2;
	s10 =	sadd.s32 s8, s5;
	s8 =	sadd.s32 s28, s5  }
0xe: {  	s11 =	smax.u32 s11, $0x1;
	s12 =	sadd.s32 s7, s5;
	s5 =	sadd.s32 $0x65800, s8  }
0xf: {  	s7 =	sadd.s32 $0x51800, s10;
	s8 =	sadd.s32 $0x3D800, s10;
	s9 =	sadd.s32 $0x29800, s10  }
0x10: {  	s10 =	sadd.s32 $0x79800, s12;
	s12 =	sshrl.u32 s13, $0x3;
	s13 =	simm.s32 $0x2  }
.LBB2_1:
0x11: {  	[spmem:s12], [sflag:s6] =	dma.local [hbm:s5], $0x1400  }
0x12: {  	_ =	swait.ge [sflag:s13], $0x1400  }
0x13: {  	[sflag:s13] =	ssyncset.done $0x0  }
0x14: {  	[sflag:s13] =	ssyncadd.s32 $0xFFFFEC00  }
0x15: {  	[tilespmem:s14], [sflag:$0x2] =	stream.linear.gather [hbm4b:s7+s3], $0x5000, $0x38;
	[tilespmem:$0x1D000] =	vst v63  }
0x16: {  	_ =	swait.ge [sflag:s13], $0x5000  }
0x17: {  	[sflag:s13] =	ssyncset.done $0x0  }
0x18: {  	[sflag:s13] =	ssyncadd.s32 $0xFFFFB000  }
0x19: {  	[tilespmem:s15], [sflag:$0x2] =	stream.linear.gather [hbm4b:s8+s3], $0x5000, $0x38;
	[tilespmem:$0x1D000] =	vst v63  }
0x1a: {  	_ =	swait.ge [sflag:s13], $0x5000  }
0x1b: {  	[sflag:s13] =	ssyncset.done $0x0  }
0x1c: {  	[sflag:s13] =	ssyncadd.s32 $0xFFFFB000  }
0x1d: {  	[tilespmem:s16], [sflag:$0x2] =	stream.linear.gather [hbm4b:s9+s3], $0x5000, $0x38;
	[tilespmem:$0x1D000] =	vst v63  }
0x1e: {  	_ =	swait.ge [sflag:s13], $0x5000  }
0x1f: {  	[sflag:s13] =	ssyncset.done $0x0  }
0x20: {  	[sflag:s13] =	ssyncadd.s32 $0xFFFFB000  }
0x21: {  	s21 =	simm.s32 $0x0;
	[bflag:$0x0] =	sbarrier.arrive $0xFFFF  }
.LBB2_2:
0x22: {  	s23 =	simm.s32 $0x0  }
0x23: {  	s22 =	sshll.u32 s21, $0x7;
	v1 =	vmov s23  }
0x24: {  	s31 =	sadd.s32 $0xA000, s22;
	v0 =	vmov s22;
	v1 =	vand.u32 $0x7F, v1  }
0x25: {  	[tilespmem:s18], [sflag:$0x1] =	stream.indirect.gather [hbm4b:s4+s17], $0x80, s31, s17, $0xb8;
	v1 =	vadd.s32 v0, v1;
	[tilespmem:$0x1D000] =	vst v63  }
0x26: {  	_ =	swait.ge [sflag:s19], $0x4000;
	v1 =	vbroadcast v1, $0x0  }
0x27: {  	[sflag:s19] =	ssyncset.done $0x0  }
0x28: {  	s23 =	simm.s32 $0x19040;
	[sflag:s19] =	ssyncadd.s32 $0xFFFFC000  }
0x29: {  	v5 =	vld [tilespmem:s23+$0x30]  }
0x2a: {  	v8 =	vld [tilespmem:s23+$0x10]  }
0x2b: {  	v6 =	vld [tilespmem:s23+$0xFFFFFFC0]  }
0x2c: {  	v2 =	vld.idx.msk [tilespmem:v1+s16+$0x0], $0xffff  }
0x2d: {  	v11 =	vld [tilespmem:s23+$0xFFFFFFE0]  }
0x2e: {  	v3 =	vld [tilespmem:s23+$0x20]  }
0x2f: {  	v4 =	vld [tilespmem:s23+$0xFFFFFFD0]  }
0x30: {  	v1 =	vld [tilespmem:s23+$0xFFFFFFF0]  }
0x31: {  	v9 =	vmul.f32 v5, v2;
	v5 =	vld [tilespmem:s23+$0x0]  }
0x32: {  	s24 =	simm.s32 $0x1;
	v7 =	vmul.f32 v6, v2  }
0x33: {  	s25 =	simm.s32 $0x2;
	v10 =	vmov s24;
	s24 =	simm.s32 $0x19040;
	v6 =	vmul.f32 v11, v2;
	v8 =	vmul.f32 v8, v2  }
.LBB2_3:
0x34: {  	p0 =	sne.s32 s25, $0x7F  }
0x35: {  	v10 =	vand.u32 $0x7F, v10;
	v4 =	vmul.f32 v4, v2;
	v3 =	vmul.f32 v3, v2;
	[tilespmem:s23+$0x30] =	vst v9;
	s24 =	sadd.s32 $0x80, s24;
	s26 =	smov.u32 s25;
	s25 =	sadd.s32 $0x1, s25  }
0x36: {  	v9 =	vadd.s32 v0, v10;
	[tilespmem:s23+$0xFFFFFFC0] =	vst v7;
	v7 =	vmul.f32 v1, v2;
	v2 =	vmul.f32 v5, v2  }
0x37: {  	v5 =	vbroadcast v9, $0x0;
	[tilespmem:s23+$0x10] =	vst v8  }
0x38: {  	[tilespmem:s23+$0xFFFFFFE0] =	vst v6  }
0x39: {  	v1 =	vld [tilespmem:s24+$0xFFFFFFF0];
	[tilespmem:s23+$0xFFFFFFF0] =	vst v7  }
0x3a: {  	v6 =	vld [tilespmem:s24+$0x30];
	[tilespmem:s23+$0x0] =	vst v2  }
0x3b: {  	v8 =	vld [tilespmem:s24+$0x10];
	[tilespmem:s23+$0x20] =	vst v3  }
0x3c: {  	v7 =	vld [tilespmem:s24+$0xFFFFFFC0];
	[tilespmem:s23+$0xFFFFFFD0] =	vst v4;
	s23 =	smov.u32 s24  }
0x3d: {  	v2 =	vld.idx.msk [tilespmem:v5+s16+$0x0], $0xffff  }
0x3e: {  	v11 =	vld [tilespmem:s24+$0xFFFFFFE0]  }
0x3f: {  	v3 =	vld [tilespmem:s24+$0x20]  }
.Ltmp0:
0x40: {  	v4 =	vld [tilespmem:s24+$0xFFFFFFD0];
	(pc) =	sbr.rel @p0 .LBB2_3-.Ltmp0, $3  }
0x41: {  	v5 =	vld [tilespmem:s24+$0x0];
	_ =	sdelay $0x1  }
0x42: {  	v7 =	vmul.f32 v7, v2;
	v9 =	vmul.f32 v6, v2  }
0x43: {  	v10 =	vmov s26;
	v8 =	vmul.f32 v8, v2;
	v6 =	vmul.f32 v11, v2  }
0x44: {  	[tilespmem:s23+$0x30] =	vst v9;
	v53 =	vand.u32 $0x7F, v10  }
0x45: {  	[tilespmem:s23+$0xFFFFFFC0] =	vst v7;
	v0 =	vadd.s32 v0, v53  }
0x46: {  	v1 =	vmul.f32 v1, v2;
	[tilespmem:s23+$0x10] =	vst v8;
	v0 =	vbroadcast v0, $0x0  }
0x47: {  	s24 =	sadd.s32 $0x80, s24;
	[tilespmem:s23+$0xFFFFFFE0] =	vst v6;
	v5 =	vmul.f32 v5, v2  }
0x48: {  	v55 =	vmul.f32 v4, v2;
	v6 =	vld [tilespmem:s24+$0xFFFFFFF0];
	[tilespmem:s23+$0xFFFFFFF0] =	vst v1  }
0x49: {  	v3 =	vmul.f32 v3, v2;
	v54 =	vld [tilespmem:s24+$0x30];
	[tilespmem:s23+$0x0] =	vst v5  }
0x4a: {  	v57 =	vld [tilespmem:s24+$0xFFFFFFC0];
	[tilespmem:s23+$0xFFFFFFD0] =	vst v55  }
0x4b: {  	v56 =	vld [tilespmem:s24+$0x10];
	[tilespmem:s23+$0x20] =	vst v3  }
0x4c: {  	v0 =	vld.idx.msk [tilespmem:v0+s16+$0x0], $0xffff;
	_ =	sdelay $0x2  }
0x4d: {  	v2 =	vld [tilespmem:s24+$0xFFFFFFE0];
	_ =	sdelay $0x1  }
0x4e: {  	v5 =	vld [tilespmem:s24+$0x0];
	v1 =	vmul.f32 v54, v0  }
0x4f: {  	v58 =	vld [tilespmem:s24+$0x20];
	v3 =	vmul.f32 v57, v0  }
0x50: {  	v59 =	vld [tilespmem:s24+$0xFFFFFFD0];
	v4 =	vmul.f32 v56, v0;
	[tilespmem:s24+$0x30] =	vst v1  }
0x51: {  	v60 =	vmul.f32 v2, v0;
	[tilespmem:s24+$0xFFFFFFC0] =	vst v3  }
0x52: {  	v61 =	vmul.f32 v6, v0;
	[tilespmem:s24+$0x10] =	vst v4  }
0x53: {  	v62 =	vmul.f32 v5, v0;
	[tilespmem:s24+$0xFFFFFFE0] =	vst v60  }
0x54: {  	v63 =	vmul.f32 v58, v0;
	[tilespmem:s24+$0xFFFFFFF0] =	vst v61  }
0x55: {  	s21 =	sadd.s32 $0x1, s21;
	v0 =	vmul.f32 v59, v0;
	[tilespmem:s24+$0x0] =	vst v62  }
0x56: {  	p0 =	sne.s32 s21, $0xA0;
	[tilespmem:s24+$0x20] =	vst v63  }
.Ltmp1:
0x57: {  	s22 =	sadd.s32 $0xF000, s22;
	[tilespmem:s24+$0xFFFFFFD0] =	vst v0;
	(pc) =	sbr.rel @p0 .LBB2_2-.Ltmp1, $4  }
0x58: {  	[spmem:s2] =	stream.indirect.scatter.add.f32 [tilespmem:s18], [sflag:$0x2], $0x80, s22, s17, $0xb8;
	[tilespmem:$0x1D000] =	vst v63  }
0x59: {  	_ =	swait.ge [sflag:s13], $0x4000  }
0x5a: {  	[sflag:s13] =	ssyncset.done $0x0  }
0x5b: {  	[sflag:s13] =	ssyncadd.s32 $0xFFFFC000  }
0x5c: {  	s20 =	sadd.s32 $0x1, s20  }
0x5d: {  	p0 =	sne.s32 s20, s11  }
.Ltmp2:
0x5e: {  	[bflag:$0x0] =	sbarrier.arrive $0xFFFF;
	(pc) =	sbr.rel @p0 .LBB2_1-.Ltmp2, $4  }
0x5f: {  	[hbm:s10], [sflag:s6] =	dma.local [spmem:s12], $0x1400  }
0x60: {  	_ =	swait.ge [sflag:s13], $0x1400  }
0x61: {  	[sflag:s13] =	ssyncset.done $0x0  }
0x62: {  	[sflag:s13] =	ssyncadd.s32 $0xFFFFEC00  }
0x63: {  	_ =	sfence.sel $0x180000  }
0x64: {  	[bflag:$0x0] =	sbarrier.arrive $0xFFFF  }
0x65: {  	p0 =	sne.s32 s0, $0x0;
	_ =	strace $0x90000047  }
0x66: {  	s0 =	sadd.s32 @!p0 $0x100000, s1;
	[bflag:$0x2] =	sbarrier.arrive $0xFFFF  }
0x67: {  	[sflag:s0] =	ssyncadd.tile.s32 @!p0 $0x1;
	_ =	shalt  }
.Lfunc_end2:
_tile_overlayer_lowered:
.L_overlay_start_2:
0x68: {  	(tag) =	ssettag $0x2  }
0x69: {  	s0 =	rddreg [dreg:$0x0];
	s2 =	stileid.u32  }
0x6a: {  	s1 =	rddreg [dreg:$0x1];
	p0 =	sne.s32 s2, $0x0  }
0x6b: {  	s3 =	rddreg [dreg:$0x2];
	[bflag:$0x3] =	sbarrier.arrive $0xFFFF;
	s2 =	simm.s32 @!p0 $0x1C02  }
0x6c: {  	[timem:s3], [sflag:s2] =	dma.local @!p0 [hbm:s0], s1  }
0x6d: {  	s0 =	simm.s32 @!p0 $0x2  }
0x6e: {  	_ =	swait.ge @!p0 [sflag:s0], s1  }
0x6f: {  	s1 =	ssub.s32 @!p0 $0x0, s1;
	[sflag:s0] =	ssyncset.done @!p0 $0x0  }
0x70: {  	[sflag:s0] =	ssyncadd.s32 @!p0 s1  }
0x71: {  	[bflag:$0x3] =	sbarrier.arrive $0xFFFF  }
0x72: {  	_ =	shalt  }

// kernel: kernel.8.cloned.1.call-start
scs
__scs_entry_jumppad:
0x0: {  	(pc) =	sbr.rel $0x88, $3  }
0x1: {  	(tag) =	ssettag $0x0;
	lr =	simm.s32 $0x1  }
0x2: {  	[smem:$0x3F97] =	sst lr;
	_ =	strace $0xD0000000  }
0x3: {  	_ = 	snop  }
0x4: {  	_ = 	snop  }
0x5: {  	_ = 	snop  }
0x6: {  	_ = 	snop  }
0x7: {  	_ = 	snop  }
__scs_overlays_trampoline_lowered:
0x8: {  	[smem:$0x3FA6] =	sst s0  }
0x9: {  	[smem:$0x3FA7] =	sst s1  }
0xa: {  	[smem:$0x3FA8] =	sst s2  }
0xb: {  	[smem:$0x3FA9] =	sst s3  }
0xc: {  	[smem:$0x3FAA] =	sst s4  }
0xd: {  	[smem:$0x3FAB] =	sst s5  }
0xe: {  	[smem:$0x3FAC] =	sst s6  }
0xf: {  	[smem:$0x3FAD] =	sst s7  }
0x10: {  	[smem:$0x3FAE] =	sst s8  }
0x11: {  	[smem:$0x3FAF] =	sst s9;
	s0 =	simm.s32 @!p0 $0x0  }
0x12: {  	s1 =	sld [smem:$0x3F95];
	s0 =	simm.s32 @p0 $0x1  }
0x13: {  	[smem:$0x3FB0] =	sst s0;
	s0 =	simm.s32 @!p1 $0x0  }
0x14: {  	s2 =	sld [smem:$0x3F94];
	s0 =	simm.s32 @p1 $0x1  }
0x15: {  	[smem:$0x3FB1] =	sst s0;
	s0 =	simm.s32 @!p2 $0x0  }
0x16: {  	s3 =	sld [smem:$0x3FDB];
	s0 =	simm.s32 @p2 $0x1  }
0x17: {  	s4 =	simm.s32 $0x1BF5;
	[smem:$0x3FB3] =	sst s0  }
0x18: {  	s0 =	sld [smem:$0x3F96];
	_ =	swait.ge [sflag:s4], $0x0  }
0x19: {  	s7 =	sld [smem:$0x3F97]  }
0x1a: {  	s8 =	sadd.s32 $0xFFFFE003, lr  }
0x1b: {  	s9 =	sadd.s32 $0xFFFFFEF7, lr;
	s5 =	simm.s32 $0xFFFFFFFF;
	p2 =	slt.u32 s8, $0xFFFFF086  }
0x1c: {  	p1 =	slt.u32 s9, $0xF7A;
	s5 =	simm.s32 @!p2 $0x0  }
0x1d: {  	s5 =	simm.s32 @p1 $0x1;
	p0 =	seq.s32 s7, s2  }
0x1e: {  	s7 =	smul.u32 @!p0 $0xF7A, s2;
	p2 =	seq.s32 @!p0 s5, $0x0  }
0x1f: {  	s9 =	smul.u32 $0xF7A, s1;
	s8 =	simm.s32 @!p0 $0x1BF5;
	p2 =	por !p2, p0  }
0x20: {  	[sflag:s8] =	ssyncset.s32 @!p0 $0xFFFFF086;
	s6 =	sadd.s32 @!p0 s3, s7;
	s7 =	simm.s32 @!p0 $0x108  }
0x21: {  	s3 =	sadd.s32 s3, s9;
	s6 =	sadd.s32 @!p0 $0x88, s6;
	s7 =	simm.s32 @p2 $0x1082  }
0x22: {  	[simem:s7], [sflag:s8] =	dma.local @!p0 [hbm:s6], $0xF7A  }
0x23: {  	s9 =	sor.u32 $0xD0000000, s2;
	s6 =	simm.s32 $0x108;
	_ =	swait.ge @!p0 [sflag:s8], $0x0  }
0x24: {  	s3 =	sadd.s32 $0x88, s3;
	s6 =	simm.s32 @!p1 $0x1082;
	[sflag:s4] =	ssyncset.s32 $0xFFFFF086  }
0x25: {  	[simem:s6], [sflag:s4] =	dma.local [hbm:s3], $0xF7A  }
0x26: {  	[smem:$0x3F97] =	sst s1;
	(tag) =	ssettag s2;
	_ =	strace s9  }
0x27: {  	s1 =	sld [smem:$0x3FA7]  }
0x28: {  	s2 =	sld [smem:$0x3FA8]  }
0x29: {  	s4 =	sld [smem:$0x3FAA]  }
0x2a: {  	p0 =	seq.s32 s5, $0x0;
	s5 =	sld [smem:$0x3FAB]  }
0x2b: {  	s6 =	sld [smem:$0x3FAC]  }
0x2c: {  	s7 =	sld [smem:$0x3FAD]  }
0x2d: {  	s3 =	simm.s32 $0x108;
	s8 =	sld [smem:$0x3FAE]  }
0x2e: {  	s3 =	simm.s32 @!p0 $0x1082;
	s9 =	sld [smem:$0x3FAF]  }
0x2f: {  	lr =	sadd.s32 s0, s3;
	s0 =	sld [smem:$0x3FA6]  }
0x30: {  	s3 =	sld [smem:$0x3FA9]  }
0x31: {  	[smem:$0x3FB2] =	sst s10  }
0x32: {  	s10 =	sld [smem:$0x3FB0];
	_ =	sdelay $0x3  }
0x33: {  	p0 =	seq.s32 s10, $0x1;
	s10 =	sld [smem:$0x3FB2];
	_ =	sdelay $0x3  }
0x34: {  	[smem:$0x3FB2] =	sst s10  }
0x35: {  	s10 =	sld [smem:$0x3FB1];
	_ =	sdelay $0x3  }
0x36: {  	p1 =	seq.s32 s10, $0x1;
	s10 =	sld [smem:$0x3FB2];
	_ =	sdelay $0x3  }
0x37: {  	[smem:$0x3FB2] =	sst s10  }
0x38: {  	s10 =	sld [smem:$0x3FB3]  }
0x39: {  	_ = 	snop;
	(pc) =	sbr.ind lr, $3  }
0x3a: {  	_ = 	snop  }
0x3b: {  	_ = 	snop  }
0x3c: {  	p2 =	seq.s32 s10, $0x1;
	s10 =	sld [smem:$0x3FB2]  }
0x3d: {  	_ =	shalt  }
0x3e: {  	_ =	shalt  }
0x3f: {  	_ =	shalt  }
0x40: {  	_ =	shalt  }
0x41: {  	_ =	shalt  }
0x42: {  	_ =	shalt  }
0x43: {  	_ =	shalt  }
0x44: {  	_ =	shalt  }
0x45: {  	_ =	shalt  }
0x46: {  	_ =	shalt  }
0x47: {  	_ =	shalt  }
0x48: {  	_ =	shalt  }
0x49: {  	_ =	shalt  }
0x4a: {  	_ =	shalt  }
0x4b: {  	_ =	shalt  }
0x4c: {  	_ =	shalt  }
0x4d: {  	_ =	shalt  }
0x4e: {  	_ =	shalt  }
0x4f: {  	_ =	shalt  }
0x50: {  	_ =	shalt  }
0x51: {  	_ =	shalt  }
0x52: {  	_ =	shalt  }
0x53: {  	_ =	shalt  }
0x54: {  	_ =	shalt  }
0x55: {  	_ =	shalt  }
0x56: {  	_ =	shalt  }
0x57: {  	_ =	shalt  }
0x58: {  	_ =	shalt  }
0x59: {  	_ =	shalt  }
0x5a: {  	_ =	shalt  }
0x5b: {  	_ =	shalt  }
0x5c: {  	_ =	shalt  }
0x5d: {  	_ =	shalt  }
0x5e: {  	_ =	shalt  }
0x5f: {  	_ =	shalt  }
0x60: {  	_ =	shalt  }
0x61: {  	_ =	shalt  }
0x62: {  	_ =	shalt  }
0x63: {  	_ =	shalt  }
0x64: {  	_ =	shalt  }
0x65: {  	_ =	shalt  }
0x66: {  	_ =	shalt  }
0x67: {  	_ =	shalt  }
0x68: {  	_ =	shalt  }
0x69: {  	_ =	shalt  }
0x6a: {  	_ =	shalt  }
0x6b: {  	_ =	shalt  }
0x6c: {  	_ =	shalt  }
0x6d: {  	_ =	shalt  }
0x6e: {  	_ =	shalt  }
0x6f: {  	_ =	shalt  }
0x70: {  	_ =	shalt  }
0x71: {  	_ =	shalt  }
0x72: {  	_ =	shalt  }
0x73: {  	_ =	shalt  }
0x74: {  	_ =	shalt  }
0x75: {  	_ =	shalt  }
0x76: {  	_ =	shalt  }
0x77: {  	_ =	shalt  }
0x78: {  	_ =	shalt  }
0x79: {  	_ =	shalt  }
0x7a: {  	_ =	shalt  }
0x7b: {  	_ =	shalt  }
0x7c: {  	_ =	shalt  }
0x7d: {  	_ =	shalt  }
0x7e: {  	_ =	shalt  }
0x7f: {  	_ =	shalt  }
0x80: {  	_ =	shalt  }
0x81: {  	_ =	shalt  }
0x82: {  	_ =	shalt  }
0x83: {  	_ =	shalt  }
0x84: {  	_ =	shalt  }
0x85: {  	_ =	shalt  }
0x86: {  	_ =	shalt  }
0x87: {  	_ =	shalt  }
.Lfunc_end0:
.L_simem_size_0:
called_computation.1_lowered:
.L_overlay_start_0:
0x88: {  	s2 =	sld [smem:$0x3FD9]  }
0x89: {  	s3 =	sld [smem:$0x3FFE];
	_ =	sdelay $0x1  }
0x8a: {  	s1 =	srdreg.scid  }
0x8b: {  	s0 =	sand.u32 $0x1, s1  }
0x8c: {  	s17 =	sshll.u32 s0, $0xA;
	s2 =	sadd.s32 s3, s2  }
0x8d: {  	s2 =	sadd.s32 s2, s17  }
0x8e: {  	[smem:$0x3FBE] =	sst s2  }
0x8f: {  	_ = 	snop  }
0x90: {  	s2 =	sld [smem:$0x3FC9]  }
0x91: {  	s18 =	sld [smem:$0x3FC8]  }
0x92: {  	s4 =	sld [smem:$0x3FC1]  }
0x93: {  	s5 =	sld [smem:$0x3FC0]  }
0x94: {  	s6 =	sld [smem:$0x3FD0];
	(tm) =	ssettm $0x1  }
0x95: {  	s7 =	sld [smem:$0x3FFB];
	_ =	sdelay $0x3  }
0x96: {  	_ =	strace s7  }
0x97: {  	s7 =	sld [smem:$0x3FFC];
	_ =	sdelay $0x3  }
0x98: {  	_ =	strace s7  }
0x99: {  	s7 =	sld [smem:$0x3FFD];
	_ =	sdelay $0x3  }
0x9a: {  	_ =	strace s7  }
0x9b: {  	_ =	strace $0x8FFFFFFF  }
0x9c: {  	s19 =	sld [smem:$0x3FDB];
	_ =	sdelay $0x1  }
0x9d: {  	s8 =	simm.s32 $_scs_section_size  }
0x9e: {  	s9 =	simm.s32 $_size__tile_overlayer_lowered;
	s10 =	simm.s32 $_tile_overlayer_lowered  }
0x9f: {  	s22 =	simm.s32 $0x1BFF;
	s21 =	sshll.u32 s10, $0x1;
	s7 =	sadd.s32 s8, s19  }
0xa0: {  	s11 =	simm.s32 $0x0;
	s20 =	sshll.u32 s9, $0x1;
	s9 =	sadd.s32 s21, s7  }
0xa1: {  	[timem:s11], [sflag:s22] =	dma.local [hbm:s9], s20  }
0xa2: {  	_ =	swait.ge [sflag:s22], s20  }
0xa3: {  	s8 =	ssub.s32 $0x0, s20;
	[sflag:s22] =	ssyncset.done $0x0  }
0xa4: {  	[sflag:s22] =	ssyncadd.s32 s8;
	_ =	sdelay $0x1  }
0xa5: {  	s23 =	simm.s32 $0x1B8B  }
0xa6: {  	_ =	swait.ge [sflag:s23], $0x1  }
0xa7: {  	[sflag:s23] =	ssyncset.done $0x0  }
0xa8: {  	s25 =	simm.s32 $0x1B8E;
	s24 =	sld [smem:$0x3FFE];
	[sflag:s23] =	ssyncadd.s32 $0xFFFFFFFF  }
0xa9: {  	s26 =	simm.s32 $execute0_lowered;
	[smem:$0x3FD2] =	sst s25  }
0xaa: {  	s9 =	sshll.u32 s26, $0x1;
	_ =	strace $0x80000049;
	[dreg:$0x1] =	wrdreg $0xFFFFFFFF  }
0xab: {  	s28 =	simm.s32 $_size_execute0_lowered;
	s7 =	sadd.s32 s7, s9;
	[dreg:$0x0] =	wrdreg $0x0  }
0xac: {  	s9 =	sshll.u32 s28, $0x1;
	[dreg:$0x2] =	wrdreg s7  }
0xad: {  	[dreg:$0x3] =	wrdreg s9  }
0xae: {  	[dreg:$0x4] =	wrdreg $0xC0  }
0xaf: {  	_ =	task [dreg:s11], $0x5FFFF  }
0xb0: {  	[dreg:$0x1] =	wrdreg $0xFFFFFFFF  }
0xb1: {  	[dreg:$0x0] =	wrdreg $0x60  }
0xb2: {  	[dreg:$0x2] =	wrdreg s2  }
0xb3: {  	[dreg:$0x3] =	wrdreg s18  }
0xb4: {  	[dreg:$0x4] =	wrdreg s24  }
0xb5: {  	[dreg:$0x5] =	wrdreg s4  }
0xb6: {  	[dreg:$0x6] =	wrdreg s5  }
0xb7: {  	[dreg:$0x7] =	wrdreg s6  }
0xb8: {  	[dreg:$0x8] =	wrdreg $0x9  }
0xb9: {  	_ =	task.clear_ibuf [dreg:s11], $0x9FFFF;
	_ =	strace $0x90000049  }
0xba: {  	s29 =	simm.s32 $0x9;
	_ =	strace $0x8000004B  }
0xbb: {  	_ =	swait.ge [sflag:s29], $0x1  }
0xbc: {  	[sflag:s29] =	ssyncadd.s32 $0xFFFFFFFF  }
0xbd: {  	_ =	strace $0x9000004B  }
0xbe: {  	_ =	sfence  }
0xbf: {  	s30 =	sld [smem:$0x0];
	_ =	sdelay $0x2  }
0xc0: {  	s31 =	sshll.u32 s1, $0xD;
	s1 =	sshrl.u32 s1, $0x2  }
0xc1: {  	s3 =	sand.u32 $0x4000, s31;
	s1 =	sadd.s32 s1, s30  }
0xc2: {  	s0 =	sor.u32 s3, s0;
	s1 =	sshll.u32 s1, $0x11  }
0xc3: {  	s0 =	sor.u32 s1, s0  }
0xc4: {  	s0 =	sadd.s32 $0x8F2B, s0  }
0xc5: {  	[sflag:s0] =	ssyncadd.remote.s32 $0x1  }
0xc6: {  	_ =	sfence.sel $0xFFFF  }
0xc7: {  	[dreg:$0x0] =	wrdreg $0xFFFFFFFF;
	(pc) =	sbr.abs _section_cstart, $3  }
0xc8: {  	[dreg:$0x1] =	wrdreg $0xFFFFFFFF  }
0xc9: {  	_ =	task.clear_ibuf [dreg:s11], $0x2FFFF;
	_ =	strace $0x9FFFFFFF  }
0xca: {  	(tm) =	ssettm $0x7FFFFFFF  }
0xcb: {  	_ =	shalt  }
tec
execute0_lowered:
.L_overlay_start_1:
0x0: {  	(tag) =	ssettag $0x1  }
0x1: {  	s1 =	rddreg [dreg:$0x0]  }
0x2: {  	s2 =	rddreg [dreg:$0x1]  }
0x3: {  	s6 =	rddreg [dreg:$0x2]  }
0x4: {  	s7 =	rddreg [dreg:$0x3]  }
0x5: {  	s8 =	rddreg [dreg:$0x4]  }
0x6: {  	s9 =	rddreg [dreg:$0x5]  }
0x7: {  	s0 =	rddreg [dreg:$0x6]  }
0x8: {  	s4 =	simm.s32 $0x0;
	s5 =	srdreg.scid;
	s3 =	stileid.u32  }
0x9: {  	s14 =	simm.s32 $0x1;
	s15 =	simm.s32 $0x4100;
	s16 =	simm.s32 $0x8100  }
0xa: {  	s17 =	simm.s32 $0xC100;
	s18 =	simm.s32 $0x10100;
	s19 =	simm.s32 $0x0  }
0xb: {  	v0 =	vlaneseq.u32;
	[smem:$0x7FF] =	sst s4;
	s5 =	sand.u32 $0x1, s5;
	s11 =	sshll.u32 s3, $0x5  }
0xc: {  	v0 =	vmul.u32 $0x80, v0;
	_ =	strace $0x8000004A;
	s10 =	ssub.s32 $0x2, s5;
	s12 =	sshll.u32 s5, $0x4  }
0xd: {  	s5 =	sadd.s32 $0x15800, s6;
	s6 =	sadd.s32 $0x1800, s6;
	s13 =	sshrl.u32 s10, $0x1  }
0xe: {  	s11 =	sor.u32 s12, s11;
	s12 =	simm.s32 $0x80;
	v1 =	vor.u32 $0x800, v0;
	s10 =	ssub.s32 s10, s13  }
0xf: {  	v2 =	vor.u32 $0x1000, v0;
	v3 =	vor.u32 $0x1800, v0;
	v4 =	vor.u32 $0x2000, v0;
	s7 =	sadd.s32 s7, s11;
	s8 =	sadd.s32 s8, s11;
	s9 =	sadd.s32 s9, s11  }
0x10: {  	v5 =	vor.u32 $0x2800, v0;
	v6 =	vor.u32 $0x3000, v0;
	v7 =	vor.u32 $0x3800, v0;
	s11 =	simm.s32 $0x2;
	s13 =	simm.s32 $0x100;
	s10 =	smax.u32 s10, $0x1  }
.LBB2_1:
0x11: {  	[tilespmem:s4], [sflag:$0x2] =	stream.linear.gather [hbm4b:s7+s4], $0x80, $0x38;
	[tilespmem:$0x10180] =	vst v63  }
0x12: {  	_ =	swait.ge [sflag:s11], $0x80  }
0x13: {  	[sflag:s11] =	ssyncset.done $0x0  }
0x14: {  	[sflag:s11] =	ssyncadd.s32 $0xFFFFFF80  }
0x15: {  	[tilespmem:s12], [sflag:$0x2] =	stream.linear.gather [hbm4b:s8+s4], $0x80, $0x38;
	[tilespmem:$0x10180] =	vst v63  }
0x16: {  	_ =	swait.ge [sflag:s11], $0x80  }
0x17: {  	[sflag:s11] =	ssyncset.done $0x0  }
0x18: {  	[sflag:s11] =	ssyncadd.s32 $0xFFFFFF80  }
0x19: {  	[tilespmem:s13], [sflag:$0x1] =	stream.indirect.gather [hbm4b:s1+s12], $0x80, s4, s12, $0xb8;
	[tilespmem:$0x10180] =	vst v63  }
0x1a: {  	_ =	swait.ge [sflag:s14], $0x4000  }
0x1b: {  	[sflag:s14] =	ssyncset.done $0x0  }
0x1c: {  	[sflag:s14] =	ssyncadd.s32 $0xFFFFC000  }
0x1d: {  	[tilespmem:s15], [sflag:$0x1] =	stream.indirect.gather [hbm4b:s2+s12], $0x80, s12, s12, $0xb8;
	[tilespmem:$0x10180] =	vst v63  }
0x1e: {  	_ =	swait.ge [sflag:s14], $0x4000  }
0x1f: {  	[sflag:s14] =	ssyncset.done $0x0  }
0x20: {  	v8 =	vmov s4;
	[sflag:s14] =	ssyncadd.s32 $0xFFFFC000  }
0x21: {  	v8 =	vand.u32 $0x7F, v8;
	[tilespmem:s16], [sflag:$0x1] =	stream.indirect.gather [hbm4b:s5+s12], $0x80, s4, s12, $0xb8;
	[tilespmem:$0x10180] =	vst v63  }
0x22: {  	v8 =	vbroadcast v8, $0x0;
	_ =	swait.ge [sflag:s14], $0x4000  }
0x23: {  	[sflag:s14] =	ssyncset.done $0x0  }
0x24: {  	s20 =	simm.s32 $0x1;
	v9 =	vor.u32 v0, v8;
	[sflag:s14] =	ssyncadd.s32 $0xFFFFC000  }
0x25: {  	v8 =	vmov s20;
	[tilespmem:s17], [sflag:$0x1] =	stream.indirect.gather [hbm4b:s6+s12], $0x80, s12, s12, $0xb8;
	[tilespmem:$0x10180] =	vst v63  }
0x26: {  	v8 =	vand.u32 $0x7F, v8;
	_ =	swait.ge [sflag:s14], $0x4000  }
0x27: {  	v8 =	vbroadcast v8, $0x0;
	[sflag:s14] =	ssyncset.done $0x0  }
0x28: {  	[sflag:s14] =	ssyncadd.s32 $0xFFFFC000  }
0x29: {  	v8 =	vor.u32 v0, v8;
	v13 =	vld.idx.msk [tilespmem:v9+s13+$0x0], $0xffff  }
0x2a: {  	v16 =	vld.idx.msk [tilespmem:v9+s15+$0x0], $0xffff  }
0x2b: {  	s31 =	simm.s32 $0x2;
	v15 =	vld.idx.msk [tilespmem:v9+s16+$0x0], $0xffff  }
0x2c: {  	v10 =	vmov s31;
	v11 =	vld.idx.msk [tilespmem:v9+s17+$0x0], $0xffff  }
0x2d: {  	v9 =	vand.u32 $0x7F, v10  }
0x2e: {  	v10 =	vld.idx.msk [tilespmem:v8+s15+$0x0], $0xffff;
	v12 =	vbroadcast v9, $0x0  }
0x2f: {  	v9 =	vld.idx.msk [tilespmem:v8+s13+$0x0], $0xffff;
	v16 =	vmul.f32 v16, v13  }
0x30: {  	v14 =	vimm.f32 $0.0e+00;
	s20 =	simm.s32 $0x3;
	v12 =	vor.u32 v0, v12;
	v13 =	vld.idx.msk [tilespmem:v8+s16+$0x0], $0xffff  }
.LBB2_2:
0x31: {  	v17 =	vmov s20;
	v15 =	vmul.f32 v11, v15;
	v11 =	vld.idx.msk [tilespmem:v8+s17+$0x0], $0xffff;
	v14 =	vadd.f32 v16, v14;
	v8 =	vmovc v12;
	p0 =	sne.s32 s20, $0x7F  }
.Ltmp0:
0x32: {  	s20 =	sadd.s32 $0x1, s20;
	v16 =	vand.u32 $0x7F, v17;
	(pc) =	sbr.rel @p0 .LBB2_2-.Ltmp0, $4  }
0x33: {  	v17 =	vbroadcast v16, $0x0;
	v14 =	vadd.f32 v15, v14  }
0x34: {  	v18 =	vmov v9;
	v9 =	vld.idx.msk [tilespmem:v12+s13+$0x0], $0xffff  }
0x35: {  	v16 =	vmul.f32 v10, v18;
	v10 =	vld.idx.msk [tilespmem:v12+s15+$0x0], $0xffff;
	v12 =	vor.u32 v0, v17  }
0x36: {  	v15 =	vmov v13;
	v13 =	vld.idx.msk [tilespmem:v8+s16+$0x0], $0xffff  }
0x37: {  	_ =	sdelay $0x3  }
0x38: {  	v8 =	vld.idx.msk [tilespmem:v8+s17+$0x0], $0xffff  }
0x39: {  	v17 =	vld.idx.msk [tilespmem:v12+s13+$0x0], $0xffff;
	v11 =	vmul.f32 v11, v15;
	v14 =	vadd.f32 v16, v14  }
0x3a: {  	v15 =	vld.idx.msk [tilespmem:v12+s15+$0x0], $0xffff  }
0x3b: {  	v16 =	vld.idx.msk [tilespmem:v12+s16+$0x0], $0xffff;
	v11 =	vadd.f32 v11, v14;
	v9 =	vmul.f32 v10, v9  }
0x3c: {  	s20 =	simm.s32 $0x0;
	v10 =	vld.idx.msk [tilespmem:v12+s17+$0x0], $0xffff  }
0x3d: {  	v8 =	vmul.f32 v8, v13;
	v9 =	vadd.f32 v9, v11;
	v11 =	vmov s20  }
0x3e: {  	v11 =	vand.u32 $0x7F, v11  }
0x3f: {  	v8 =	vadd.f32 v8, v9;
	v9 =	vmul.f32 v15, v17;
	v11 =	vbroadcast v11, $0x0;
	_ =	sdelay $0x1  }
0x40: {  	s30 =	simm.s32 $0x1;
	v10 =	vmul.f32 v10, v16;
	v8 =	vadd.f32 v9, v8;
	v9 =	vor.u32 v1, v11  }
0x41: {  	v11 =	vmov s30  }
0x42: {  	v11 =	vand.u32 $0x7F, v11;
	v8 =	vadd.f32 v10, v8  }
0x43: {  	v10 =	vbroadcast v11, $0x0  }
0x44: {  	[tilespmem:$0x10100] =	vst v8  }
0x45: {  	v8 =	vor.u32 v1, v10;
	v13 =	vld.idx.msk [tilespmem:v9+s13+$0x0], $0xffff  }
0x46: {  	v16 =	vld.idx.msk [tilespmem:v9+s15+$0x0], $0xffff  }
0x47: {  	s31 =	simm.s32 $0x2;
	v15 =	vld.idx.msk [tilespmem:v9+s16+$0x0], $0xffff  }
0x48: {  	v10 =	vmov s31;
	v11 =	vld.idx.msk [tilespmem:v9+s17+$0x0], $0xffff  }
0x49: {  	v9 =	vand.u32 $0x7F, v10  }
0x4a: {  	v12 =	vbroadcast v9, $0x0;
	v9 =	vld.idx.msk [tilespmem:v8+s13+$0x0], $0xffff  }
0x4b: {  	v10 =	vld.idx.msk [tilespmem:v8+s15+$0x0], $0xffff;
	v16 =	vmul.f32 v16, v13  }
0x4c: {  	v14 =	vimm.f32 $0.0e+00;
	s20 =	simm.s32 $0x3;
	v12 =	vor.u32 v1, v12;
	v13 =	vld.idx.msk [tilespmem:v8+s16+$0x0], $0xffff  }
.LBB2_4:
0x4d: {  	v17 =	vmov s20;
	v15 =	vmul.f32 v11, v15;
	v11 =	vld.idx.msk [tilespmem:v8+s17+$0x0], $0xffff;
	v14 =	vadd.f32 v16, v14;
	v8 =	vmovc v12;
	p0 =	sne.s32 s20, $0x7F  }
.Ltmp1:
0x4e: {  	s20 =	sadd.s32 $0x1, s20;
	v16 =	vand.u32 $0x7F, v17;
	(pc) =	sbr.rel @p0 .LBB2_4-.Ltmp1, $4  }
0x4f: {  	v17 =	vbroadcast v16, $0x0;
	v14 =	vadd.f32 v15, v14  }
0x50: {  	v18 =	vmov v9;
	v9 =	vld.idx.msk [tilespmem:v12+s13+$0x0], $0xffff  }
0x51: {  	v16 =	vmul.f32 v10, v18;
	v10 =	vld.idx.msk [tilespmem:v12+s15+$0x0], $0xffff;
	v12 =	vor.u32 v1, v17  }
0x52: {  	v15 =	vmov v13;
	v13 =	vld.idx.msk [tilespmem:v8+s16+$0x0], $0xffff  }
0x53: {  	_ =	sdelay $0x3  }
0x54: {  	v8 =	vld.idx.msk [tilespmem:v8+s17+$0x0], $0xffff  }
0x55: {  	v17 =	vld.idx.msk [tilespmem:v12+s13+$0x0], $0xffff;
	v11 =	vmul.f32 v11, v15;
	v14 =	vadd.f32 v16, v14  }
0x56: {  	v15 =	vld.idx.msk [tilespmem:v12+s15+$0x0], $0xffff  }
0x57: {  	v16 =	vld.idx.msk [tilespmem:v12+s16+$0x0], $0xffff;
	v11 =	vadd.f32 v11, v14;
	v9 =	vmul.f32 v10, v9  }
0x58: {  	s20 =	simm.s32 $0x0;
	v10 =	vld.idx.msk [tilespmem:v12+s17+$0x0], $0xffff  }
0x59: {  	v8 =	vmul.f32 v8, v13;
	v9 =	vadd.f32 v9, v11;
	v11 =	vmov s20  }
0x5a: {  	v11 =	vand.u32 $0x7F, v11  }
0x5b: {  	v8 =	vadd.f32 v8, v9;
	v9 =	vmul.f32 v15, v17;
	v11 =	vbroadcast v11, $0x0;
	_ =	sdelay $0x1  }
0x5c: {  	s30 =	simm.s32 $0x1;
	v10 =	vmul.f32 v10, v16;
	v8 =	vadd.f32 v9, v8;
	v9 =	vor.u32 v2, v11  }
0x5d: {  	v11 =	vmov s30  }
0x5e: {  	v11 =	vand.u32 $0x7F, v11;
	v8 =	vadd.f32 v10, v8  }
0x5f: {  	v10 =	vbroadcast v11, $0x0  }
0x60: {  	[tilespmem:$0x10110] =	vst v8  }
0x61: {  	v8 =	vor.u32 v2, v10;
	v13 =	vld.idx.msk [tilespmem:v9+s13+$0x0], $0xffff  }
0x62: {  	v16 =	vld.idx.msk [tilespmem:v9+s15+$0x0], $0xffff  }
0x63: {  	s31 =	simm.s32 $0x2;
	v15 =	vld.idx.msk [tilespmem:v9+s16+$0x0], $0xffff  }
0x64: {  	v10 =	vmov s31;
	v11 =	vld.idx.msk [tilespmem:v9+s17+$0x0], $0xffff  }
0x65: {  	v9 =	vand.u32 $0x7F, v10  }
0x66: {  	v12 =	vbroadcast v9, $0x0;
	v9 =	vld.idx.msk [tilespmem:v8+s13+$0x0], $0xffff  }
0x67: {  	v10 =	vld.idx.msk [tilespmem:v8+s15+$0x0], $0xffff;
	v16 =	vmul.f32 v16, v13  }
0x68: {  	v14 =	vimm.f32 $0.0e+00;
	s20 =	simm.s32 $0x3;
	v12 =	vor.u32 v2, v12;
	v13 =	vld.idx.msk [tilespmem:v8+s16+$0x0], $0xffff  }
.LBB2_6:
0x69: {  	v17 =	vmov s20;
	v15 =	vmul.f32 v11, v15;
	v11 =	vld.idx.msk [tilespmem:v8+s17+$0x0], $0xffff;
	v14 =	vadd.f32 v16, v14;
	v8 =	vmovc v12;
	p0 =	sne.s32 s20, $0x7F  }
.Ltmp2:
0x6a: {  	s20 =	sadd.s32 $0x1, s20;
	v16 =	vand.u32 $0x7F, v17;
	(pc) =	sbr.rel @p0 .LBB2_6-.Ltmp2, $4  }
0x6b: {  	v17 =	vbroadcast v16, $0x0;
	v14 =	vadd.f32 v15, v14  }
0x6c: {  	v18 =	vmov v9;
	v9 =	vld.idx.msk [tilespmem:v12+s13+$0x0], $0xffff  }
0x6d: {  	v16 =	vmul.f32 v10, v18;
	v10 =	vld.idx.msk [tilespmem:v12+s15+$0x0], $0xffff;
	v12 =	vor.u32 v2, v17  }
0x6e: {  	v15 =	vmov v13;
	v13 =	vld.idx.msk [tilespmem:v8+s16+$0x0], $0xffff  }
0x6f: {  	_ =	sdelay $0x3  }
0x70: {  	v8 =	vld.idx.msk [tilespmem:v8+s17+$0x0], $0xffff  }
0x71: {  	v17 =	vld.idx.msk [tilespmem:v12+s13+$0x0], $0xffff;
	v11 =	vmul.f32 v11, v15;
	v14 =	vadd.f32 v16, v14  }
0x72: {  	v15 =	vld.idx.msk [tilespmem:v12+s15+$0x0], $0xffff  }
0x73: {  	v16 =	vld.idx.msk [tilespmem:v12+s16+$0x0], $0xffff;
	v11 =	vadd.f32 v11, v14;
	v9 =	vmul.f32 v10, v9  }
0x74: {  	s20 =	simm.s32 $0x0;
	v10 =	vld.idx.msk [tilespmem:v12+s17+$0x0], $0xffff  }
0x75: {  	v8 =	vmul.f32 v8, v13;
	v9 =	vadd.f32 v9, v11;
	v11 =	vmov s20  }
0x76: {  	v11 =	vand.u32 $0x7F, v11  }
0x77: {  	v8 =	vadd.f32 v8, v9;
	v9 =	vmul.f32 v15, v17;
	v11 =	vbroadcast v11, $0x0;
	_ =	sdelay $0x1  }
0x78: {  	s30 =	simm.s32 $0x1;
	v10 =	vmul.f32 v10, v16;
	v8 =	vadd.f32 v9, v8;
	v9 =	vor.u32 v3, v11  }
0x79: {  	v11 =	vmov s30  }
0x7a: {  	v11 =	vand.u32 $0x7F, v11;
	v8 =	vadd.f32 v10, v8  }
0x7b: {  	v10 =	vbroadcast v11, $0x0  }
0x7c: {  	[tilespmem:$0x10120] =	vst v8  }
0x7d: {  	v8 =	vor.u32 v3, v10;
	v13 =	vld.idx.msk [tilespmem:v9+s13+$0x0], $0xffff  }
0x7e: {  	v16 =	vld.idx.msk [tilespmem:v9+s15+$0x0], $0xffff  }
0x7f: {  	s31 =	simm.s32 $0x2;
	v15 =	vld.idx.msk [tilespmem:v9+s16+$0x0], $0xffff  }
0x80: {  	v10 =	vmov s31;
	v11 =	vld.idx.msk [tilespmem:v9+s17+$0x0], $0xffff  }
0x81: {  	v9 =	vand.u32 $0x7F, v10  }
0x82: {  	v12 =	vbroadcast v9, $0x0;
	v9 =	vld.idx.msk [tilespmem:v8+s13+$0x0], $0xffff  }
0x83: {  	v10 =	vld.idx.msk [tilespmem:v8+s15+$0x0], $0xffff;
	v16 =	vmul.f32 v16, v13  }
0x84: {  	v14 =	vimm.f32 $0.0e+00;
	s20 =	simm.s32 $0x3;
	v12 =	vor.u32 v3, v12;
	v13 =	vld.idx.msk [tilespmem:v8+s16+$0x0], $0xffff  }
.LBB2_8:
0x85: {  	v17 =	vmov s20;
	v15 =	vmul.f32 v11, v15;
	v11 =	vld.idx.msk [tilespmem:v8+s17+$0x0], $0xffff;
	v14 =	vadd.f32 v16, v14;
	v8 =	vmovc v12;
	p0 =	sne.s32 s20, $0x7F  }
.Ltmp3:
0x86: {  	s20 =	sadd.s32 $0x1, s20;
	v16 =	vand.u32 $0x7F, v17;
	(pc) =	sbr.rel @p0 .LBB2_8-.Ltmp3, $4  }
0x87: {  	v17 =	vbroadcast v16, $0x0;
	v14 =	vadd.f32 v15, v14  }
0x88: {  	v18 =	vmov v9;
	v9 =	vld.idx.msk [tilespmem:v12+s13+$0x0], $0xffff  }
0x89: {  	v16 =	vmul.f32 v10, v18;
	v10 =	vld.idx.msk [tilespmem:v12+s15+$0x0], $0xffff;
	v12 =	vor.u32 v3, v17  }
0x8a: {  	v15 =	vmov v13;
	v13 =	vld.idx.msk [tilespmem:v8+s16+$0x0], $0xffff  }
0x8b: {  	_ =	sdelay $0x3  }
0x8c: {  	v8 =	vld.idx.msk [tilespmem:v8+s17+$0x0], $0xffff  }
0x8d: {  	v17 =	vld.idx.msk [tilespmem:v12+s13+$0x0], $0xffff;
	v11 =	vmul.f32 v11, v15;
	v14 =	vadd.f32 v16, v14  }
0x8e: {  	v15 =	vld.idx.msk [tilespmem:v12+s15+$0x0], $0xffff  }
0x8f: {  	v16 =	vld.idx.msk [tilespmem:v12+s16+$0x0], $0xffff;
	v11 =	vadd.f32 v11, v14;
	v9 =	vmul.f32 v10, v9  }
0x90: {  	s20 =	simm.s32 $0x0;
	v10 =	vld.idx.msk [tilespmem:v12+s17+$0x0], $0xffff  }
0x91: {  	v8 =	vmul.f32 v8, v13;
	v9 =	vadd.f32 v9, v11;
	v11 =	vmov s20  }
0x92: {  	v11 =	vand.u32 $0x7F, v11  }
0x93: {  	v8 =	vadd.f32 v8, v9;
	v9 =	vmul.f32 v15, v17;
	v11 =	vbroadcast v11, $0x0;
	_ =	sdelay $0x1  }
0x94: {  	s30 =	simm.s32 $0x1;
	v10 =	vmul.f32 v10, v16;
	v8 =	vadd.f32 v9, v8;
	v9 =	vor.u32 v4, v11  }
0x95: {  	v11 =	vmov s30  }
0x96: {  	v11 =	vand.u32 $0x7F, v11;
	v8 =	vadd.f32 v10, v8  }
0x97: {  	v10 =	vbroadcast v11, $0x0  }
0x98: {  	[tilespmem:$0x10130] =	vst v8  }
0x99: {  	v8 =	vor.u32 v4, v10;
	v13 =	vld.idx.msk [tilespmem:v9+s13+$0x0], $0xffff  }
0x9a: {  	v16 =	vld.idx.msk [tilespmem:v9+s15+$0x0], $0xffff  }
0x9b: {  	s31 =	simm.s32 $0x2;
	v15 =	vld.idx.msk [tilespmem:v9+s16+$0x0], $0xffff  }
0x9c: {  	v10 =	vmov s31;
	v11 =	vld.idx.msk [tilespmem:v9+s17+$0x0], $0xffff  }
0x9d: {  	v9 =	vand.u32 $0x7F, v10  }
0x9e: {  	v12 =	vbroadcast v9, $0x0;
	v9 =	vld.idx.msk [tilespmem:v8+s13+$0x0], $0xffff  }
0x9f: {  	v10 =	vld.idx.msk [tilespmem:v8+s15+$0x0], $0xffff;
	v16 =	vmul.f32 v16, v13  }
0xa0: {  	v14 =	vimm.f32 $0.0e+00;
	s20 =	simm.s32 $0x3;
	v12 =	vor.u32 v4, v12;
	v13 =	vld.idx.msk [tilespmem:v8+s16+$0x0], $0xffff  }
.LBB2_10:
0xa1: {  	v17 =	vmov s20;
	v15 =	vmul.f32 v11, v15;
	v11 =	vld.idx.msk [tilespmem:v8+s17+$0x0], $0xffff;
	v14 =	vadd.f32 v16, v14;
	v8 =	vmovc v12;
	p0 =	sne.s32 s20, $0x7F  }
.Ltmp4:
0xa2: {  	s20 =	sadd.s32 $0x1, s20;
	v16 =	vand.u32 $0x7F, v17;
	(pc) =	sbr.rel @p0 .LBB2_10-.Ltmp4, $4  }
0xa3: {  	v17 =	vbroadcast v16, $0x0;
	v14 =	vadd.f32 v15, v14  }
0xa4: {  	v18 =	vmov v9;
	v9 =	vld.idx.msk [tilespmem:v12+s13+$0x0], $0xffff  }
0xa5: {  	v16 =	vmul.f32 v10, v18;
	v10 =	vld.idx.msk [tilespmem:v12+s15+$0x0], $0xffff;
	v12 =	vor.u32 v4, v17  }
0xa6: {  	v15 =	vmov v13;
	v13 =	vld.idx.msk [tilespmem:v8+s16+$0x0], $0xffff  }
0xa7: {  	_ =	sdelay $0x3  }
0xa8: {  	v8 =	vld.idx.msk [tilespmem:v8+s17+$0x0], $0xffff  }
0xa9: {  	v17 =	vld.idx.msk [tilespmem:v12+s13+$0x0], $0xffff;
	v11 =	vmul.f32 v11, v15;
	v14 =	vadd.f32 v16, v14  }
0xaa: {  	v15 =	vld.idx.msk [tilespmem:v12+s15+$0x0], $0xffff  }
0xab: {  	v16 =	vld.idx.msk [tilespmem:v12+s16+$0x0], $0xffff;
	v11 =	vadd.f32 v11, v14;
	v9 =	vmul.f32 v10, v9  }
0xac: {  	s20 =	simm.s32 $0x0;
	v10 =	vld.idx.msk [tilespmem:v12+s17+$0x0], $0xffff  }
0xad: {  	v8 =	vmul.f32 v8, v13;
	v9 =	vadd.f32 v9, v11;
	v11 =	vmov s20  }
0xae: {  	v11 =	vand.u32 $0x7F, v11  }
0xaf: {  	v8 =	vadd.f32 v8, v9;
	v9 =	vmul.f32 v15, v17;
	v11 =	vbroadcast v11, $0x0;
	_ =	sdelay $0x1  }
0xb0: {  	s30 =	simm.s32 $0x1;
	v10 =	vmul.f32 v10, v16;
	v8 =	vadd.f32 v9, v8;
	v9 =	vor.u32 v5, v11  }
0xb1: {  	v11 =	vmov s30  }
0xb2: {  	v11 =	vand.u32 $0x7F, v11;
	v8 =	vadd.f32 v10, v8  }
0xb3: {  	v10 =	vbroadcast v11, $0x0  }
0xb4: {  	[tilespmem:$0x10140] =	vst v8  }
0xb5: {  	v8 =	vor.u32 v5, v10;
	v13 =	vld.idx.msk [tilespmem:v9+s13+$0x0], $0xffff  }
0xb6: {  	v16 =	vld.idx.msk [tilespmem:v9+s15+$0x0], $0xffff  }
0xb7: {  	s31 =	simm.s32 $0x2;
	v15 =	vld.idx.msk [tilespmem:v9+s16+$0x0], $0xffff  }
0xb8: {  	v10 =	vmov s31;
	v11 =	vld.idx.msk [tilespmem:v9+s17+$0x0], $0xffff  }
0xb9: {  	v9 =	vand.u32 $0x7F, v10  }
0xba: {  	v12 =	vbroadcast v9, $0x0;
	v9 =	vld.idx.msk [tilespmem:v8+s13+$0x0], $0xffff  }
0xbb: {  	v10 =	vld.idx.msk [tilespmem:v8+s15+$0x0], $0xffff;
	v16 =	vmul.f32 v16, v13  }
0xbc: {  	v14 =	vimm.f32 $0.0e+00;
	s20 =	simm.s32 $0x3;
	v12 =	vor.u32 v5, v12;
	v13 =	vld.idx.msk [tilespmem:v8+s16+$0x0], $0xffff  }
.LBB2_12:
0xbd: {  	v17 =	vmov s20;
	v15 =	vmul.f32 v11, v15;
	v11 =	vld.idx.msk [tilespmem:v8+s17+$0x0], $0xffff;
	v14 =	vadd.f32 v16, v14;
	v8 =	vmovc v12;
	p0 =	sne.s32 s20, $0x7F  }
.Ltmp5:
0xbe: {  	s20 =	sadd.s32 $0x1, s20;
	v16 =	vand.u32 $0x7F, v17;
	(pc) =	sbr.rel @p0 .LBB2_12-.Ltmp5, $4  }
0xbf: {  	v17 =	vbroadcast v16, $0x0;
	v14 =	vadd.f32 v15, v14  }
0xc0: {  	v18 =	vmov v9;
	v9 =	vld.idx.msk [tilespmem:v12+s13+$0x0], $0xffff  }
0xc1: {  	v16 =	vmul.f32 v10, v18;
	v10 =	vld.idx.msk [tilespmem:v12+s15+$0x0], $0xffff;
	v12 =	vor.u32 v5, v17  }
0xc2: {  	v15 =	vmov v13;
	v13 =	vld.idx.msk [tilespmem:v8+s16+$0x0], $0xffff  }
0xc3: {  	_ =	sdelay $0x3  }
0xc4: {  	v8 =	vld.idx.msk [tilespmem:v8+s17+$0x0], $0xffff  }
0xc5: {  	v17 =	vld.idx.msk [tilespmem:v12+s13+$0x0], $0xffff;
	v11 =	vmul.f32 v11, v15;
	v14 =	vadd.f32 v16, v14  }
0xc6: {  	v15 =	vld.idx.msk [tilespmem:v12+s15+$0x0], $0xffff  }
0xc7: {  	v16 =	vld.idx.msk [tilespmem:v12+s16+$0x0], $0xffff;
	v11 =	vadd.f32 v11, v14;
	v9 =	vmul.f32 v10, v9  }
0xc8: {  	s20 =	simm.s32 $0x0;
	v10 =	vld.idx.msk [tilespmem:v12+s17+$0x0], $0xffff  }
0xc9: {  	v8 =	vmul.f32 v8, v13;
	v9 =	vadd.f32 v9, v11;
	v11 =	vmov s20  }
0xca: {  	v11 =	vand.u32 $0x7F, v11  }
0xcb: {  	v8 =	vadd.f32 v8, v9;
	v9 =	vmul.f32 v15, v17;
	v11 =	vbroadcast v11, $0x0;
	_ =	sdelay $0x1  }
0xcc: {  	s30 =	simm.s32 $0x1;
	v10 =	vmul.f32 v10, v16;
	v8 =	vadd.f32 v9, v8;
	v9 =	vor.u32 v6, v11  }
0xcd: {  	v11 =	vmov s30  }
0xce: {  	v11 =	vand.u32 $0x7F, v11;
	v8 =	vadd.f32 v10, v8  }
0xcf: {  	v10 =	vbroadcast v11, $0x0  }
0xd0: {  	[tilespmem:$0x10150] =	vst v8  }
0xd1: {  	v8 =	vor.u32 v6, v10;
	v13 =	vld.idx.msk [tilespmem:v9+s13+$0x0], $0xffff  }
0xd2: {  	v16 =	vld.idx.msk [tilespmem:v9+s15+$0x0], $0xffff  }
0xd3: {  	s31 =	simm.s32 $0x2;
	v15 =	vld.idx.msk [tilespmem:v9+s16+$0x0], $0xffff  }
0xd4: {  	v10 =	vmov s31;
	v11 =	vld.idx.msk [tilespmem:v9+s17+$0x0], $0xffff  }
0xd5: {  	v9 =	vand.u32 $0x7F, v10  }
0xd6: {  	v12 =	vbroadcast v9, $0x0;
	v9 =	vld.idx.msk [tilespmem:v8+s13+$0x0], $0xffff  }
0xd7: {  	v10 =	vld.idx.msk [tilespmem:v8+s15+$0x0], $0xffff;
	v16 =	vmul.f32 v16, v13  }
0xd8: {  	v14 =	vimm.f32 $0.0e+00;
	s20 =	simm.s32 $0x3;
	v12 =	vor.u32 v6, v12;
	v13 =	vld.idx.msk [tilespmem:v8+s16+$0x0], $0xffff  }
.LBB2_14:
0xd9: {  	v17 =	vmov s20;
	v15 =	vmul.f32 v11, v15;
	v11 =	vld.idx.msk [tilespmem:v8+s17+$0x0], $0xffff;
	v14 =	vadd.f32 v16, v14;
	v8 =	vmovc v12;
	p0 =	sne.s32 s20, $0x7F  }
.Ltmp6:
0xda: {  	s20 =	sadd.s32 $0x1, s20;
	v16 =	vand.u32 $0x7F, v17;
	(pc) =	sbr.rel @p0 .LBB2_14-.Ltmp6, $4  }
0xdb: {  	v17 =	vbroadcast v16, $0x0;
	v14 =	vadd.f32 v15, v14  }
0xdc: {  	v18 =	vmov v9;
	v9 =	vld.idx.msk [tilespmem:v12+s13+$0x0], $0xffff  }
0xdd: {  	v16 =	vmul.f32 v10, v18;
	v10 =	vld.idx.msk [tilespmem:v12+s15+$0x0], $0xffff;
	v12 =	vor.u32 v6, v17  }
0xde: {  	v15 =	vmov v13;
	v13 =	vld.idx.msk [tilespmem:v8+s16+$0x0], $0xffff  }
0xdf: {  	_ =	sdelay $0x3  }
0xe0: {  	v8 =	vld.idx.msk [tilespmem:v8+s17+$0x0], $0xffff  }
0xe1: {  	v17 =	vld.idx.msk [tilespmem:v12+s13+$0x0], $0xffff;
	v11 =	vmul.f32 v11, v15;
	v14 =	vadd.f32 v16, v14  }
0xe2: {  	v15 =	vld.idx.msk [tilespmem:v12+s15+$0x0], $0xffff  }
0xe3: {  	v16 =	vld.idx.msk [tilespmem:v12+s16+$0x0], $0xffff;
	v11 =	vadd.f32 v11, v14;
	v9 =	vmul.f32 v10, v9  }
0xe4: {  	s20 =	simm.s32 $0x0;
	v10 =	vld.idx.msk [tilespmem:v12+s17+$0x0], $0xffff  }
0xe5: {  	v8 =	vmul.f32 v8, v13;
	v9 =	vadd.f32 v9, v11;
	v11 =	vmov s20  }
0xe6: {  	v11 =	vand.u32 $0x7F, v11  }
0xe7: {  	v8 =	vadd.f32 v8, v9;
	v9 =	vmul.f32 v15, v17;
	v11 =	vbroadcast v11, $0x0;
	_ =	sdelay $0x1  }
0xe8: {  	s30 =	simm.s32 $0x1;
	v10 =	vmul.f32 v10, v16;
	v8 =	vadd.f32 v9, v8;
	v9 =	vor.u32 v7, v11  }
0xe9: {  	v11 =	vmov s30  }
0xea: {  	v11 =	vand.u32 $0x7F, v11;
	v8 =	vadd.f32 v10, v8  }
0xeb: {  	v10 =	vbroadcast v11, $0x0  }
0xec: {  	[tilespmem:$0x10160] =	vst v8  }
0xed: {  	v8 =	vor.u32 v7, v10;
	v13 =	vld.idx.msk [tilespmem:v9+s13+$0x0], $0xffff  }
0xee: {  	v16 =	vld.idx.msk [tilespmem:v9+s15+$0x0], $0xffff  }
0xef: {  	s31 =	simm.s32 $0x2;
	v15 =	vld.idx.msk [tilespmem:v9+s16+$0x0], $0xffff  }
0xf0: {  	v10 =	vmov s31;
	v11 =	vld.idx.msk [tilespmem:v9+s17+$0x0], $0xffff  }
0xf1: {  	v9 =	vand.u32 $0x7F, v10  }
0xf2: {  	v12 =	vbroadcast v9, $0x0;
	v9 =	vld.idx.msk [tilespmem:v8+s13+$0x0], $0xffff  }
0xf3: {  	v10 =	vld.idx.msk [tilespmem:v8+s15+$0x0], $0xffff;
	v16 =	vmul.f32 v16, v13  }
0xf4: {  	v14 =	vimm.f32 $0.0e+00;
	s20 =	simm.s32 $0x3;
	v12 =	vor.u32 v7, v12;
	v13 =	vld.idx.msk [tilespmem:v8+s16+$0x0], $0xffff  }
.LBB2_16:
0xf5: {  	v17 =	vmov s20;
	v15 =	vmul.f32 v11, v15;
	v11 =	vld.idx.msk [tilespmem:v8+s17+$0x0], $0xffff;
	v14 =	vadd.f32 v16, v14;
	v8 =	vmovc v12;
	p0 =	sne.s32 s20, $0x7F  }
.Ltmp7:
0xf6: {  	s20 =	sadd.s32 $0x1, s20;
	v16 =	vand.u32 $0x7F, v17;
	(pc) =	sbr.rel @p0 .LBB2_16-.Ltmp7, $4  }
0xf7: {  	v17 =	vbroadcast v16, $0x0;
	v14 =	vadd.f32 v15, v14  }
0xf8: {  	v18 =	vmov v9;
	v9 =	vld.idx.msk [tilespmem:v12+s13+$0x0], $0xffff  }
0xf9: {  	v16 =	vmul.f32 v10, v18;
	v10 =	vld.idx.msk [tilespmem:v12+s15+$0x0], $0xffff;
	v12 =	vor.u32 v7, v17  }
0xfa: {  	v15 =	vmov v13;
	v13 =	vld.idx.msk [tilespmem:v8+s16+$0x0], $0xffff  }
0xfb: {  	_ =	sdelay $0x3  }
0xfc: {  	v8 =	vld.idx.msk [tilespmem:v8+s17+$0x0], $0xffff  }
0xfd: {  	v11 =	vmul.f32 v11, v15;
	v14 =	vadd.f32 v16, v14;
	v59 =	vld.idx.msk [tilespmem:v12+s13+$0x0], $0xffff  }
0xfe: {  	v60 =	vld.idx.msk [tilespmem:v12+s15+$0x0], $0xffff  }
0xff: {  	v61 =	vld.idx.msk [tilespmem:v12+s16+$0x0], $0xffff;
	v11 =	vadd.f32 v11, v14;
	v9 =	vmul.f32 v10, v9  }
0x100: {  	v62 =	vld.idx.msk [tilespmem:v12+s17+$0x0], $0xffff  }
0x101: {  	v8 =	vmul.f32 v8, v13;
	v9 =	vadd.f32 v9, v11;
	_ =	sdelay $0x1  }
0x102: {  	v63 =	vmul.f32 v60, v59;
	v8 =	vadd.f32 v8, v9;
	_ =	sdelay $0x1  }
0x103: {  	v10 =	vmul.f32 v62, v61;
	v8 =	vadd.f32 v63, v8;
	_ =	sdelay $0x1  }
0x104: {  	s19 =	sadd.s32 $0x1, s19;
	v8 =	vadd.f32 v10, v8  }
0x105: {  	p0 =	sne.s32 s19, s10  }
.Ltmp8:
0x106: {  	[tilespmem:$0x10170] =	vst v8;
	(pc) =	sbr.rel @p0 .LBB2_1-.Ltmp8, $4  }
0x107: {  	[hbm4b:s9+s4] =	stream.linear.scatter [tilespmem:s18], [sflag:$0x2], $0x80, $0x38;
	[tilespmem:$0x10180] =	vst v63  }
0x108: {  	_ =	swait.ge [sflag:s11], $0x80  }
0x109: {  	[sflag:s11] =	ssyncset.done $0x0  }
0x10a: {  	[sflag:s11] =	ssyncadd.s32 $0xFFFFFF80  }
0x10b: {  	_ =	sfence.sel $0x180000  }
0x10c: {  	[bflag:$0x0] =	sbarrier.arrive $0xFFFF  }
0x10d: {  	p0 =	sne.s32 s3, $0x0;
	_ =	strace $0x9000004A  }
0x10e: {  	s0 =	sadd.s32 @!p0 $0x100000, s0;
	[bflag:$0x2] =	sbarrier.arrive $0xFFFF  }
0x10f: {  	[sflag:s0] =	ssyncadd.tile.s32 @!p0 $0x1;
	_ =	shalt  }
.Lfunc_end2:
_tile_overlayer_lowered:
.L_overlay_start_2:
0x110: {  	(tag) =	ssettag $0x2  }
0x111: {  	s0 =	rddreg [dreg:$0x0];
	s2 =	stileid.u32  }
0x112: {  	s1 =	rddreg [dreg:$0x1];
	p0 =	sne.s32 s2, $0x0  }
0x113: {  	s3 =	rddreg [dreg:$0x2];
	[bflag:$0x3] =	sbarrier.arrive $0xFFFF;
	s2 =	simm.s32 @!p0 $0x1C02  }
0x114: {  	[timem:s3], [sflag:s2] =	dma.local @!p0 [hbm:s0], s1  }
0x115: {  	s0 =	simm.s32 @!p0 $0x2  }
0x116: {  	_ =	swait.ge @!p0 [sflag:s0], s1  }
0x117: {  	s1 =	ssub.s32 @!p0 $0x0, s1;
	[sflag:s0] =	ssyncset.done @!p0 $0x0  }
0x118: {  	[sflag:s0] =	ssyncadd.s32 @!p0 s1  }
0x119: {  	[bflag:$0x3] =	sbarrier.arrive $0xFFFF  }
0x11a: {  	_ =	shalt  }

</sc_bundles>
